<compile_context>
chip_gen: v7x
topology: tpu7x:2x2x1
jax: 0.10.2.dev20260603
libtpu: 0.0.44.dev20260713+nightly
codegen_flags: <defaults>
</compile_context>

<pallas_src>
import functools

import jax
import jax.numpy as jnp
from jax import lax
from jax.experimental import pallas as pl
from jax.experimental.pallas import tpu as pltpu
from jax.experimental.pallas import tpu_sc as plsc

NUM_NODES = 100000
EMBED_DIM = 128
NUM_CORES = 2
NUM_SUBCORES = 16
NUM_WORKERS = NUM_CORES * NUM_SUBCORES
CHUNK_ROWS = 400
NUM_CHUNKS = NUM_NODES // CHUNK_ROWS
MAX_K = -(-NUM_CHUNKS // NUM_WORKERS)
NBUF = 2


def kernel(embedding_table):
    n, d = embedding_table.shape
    mesh = plsc.VectorSubcoreMesh(core_axis_name="c", subcore_axis_name="s")

    @functools.partial(
        pl.kernel,
        mesh=mesh,
        out_type=jax.ShapeDtypeStruct((n, d), embedding_table.dtype),
        scratch_types=[
            pltpu.VMEM((NBUF, CHUNK_ROWS, EMBED_DIM), jnp.float32),
            pltpu.SemaphoreType.DMA((NBUF,)),
            pltpu.SemaphoreType.DMA((NBUF,)),
        ],
    )
    def copy_k(table_hbm, out_hbm, bufs, in_sems, out_sems):
        wid = lax.axis_index("s") * NUM_CORES + lax.axis_index("c")

        def in_dma(k, slot):
            c = wid + k * NUM_WORKERS
            return pltpu.make_async_copy(
                table_hbm.at[pl.ds(c * CHUNK_ROWS, CHUNK_ROWS)],
                bufs.at[slot],
                in_sems.at[slot],
            )

        def out_dma(k, slot):
            c = wid + k * NUM_WORKERS
            return pltpu.make_async_copy(
                bufs.at[slot],
                out_hbm.at[pl.ds(c * CHUNK_ROWS, CHUNK_ROWS)],
                out_sems.at[slot],
            )

        def valid(k):
            return wid + k * NUM_WORKERS < NUM_CHUNKS

        for k in range(min(NBUF - 1, MAX_K)):
            @pl.when(valid(k))
            def _(k=k):
                in_dma(k, k % NBUF).start()

        for k in range(MAX_K):
            slot = k % NBUF
            kp = k + NBUF - 1
            if kp < MAX_K:
                @pl.when(valid(kp))
                def _(kp=kp):
                    prev = kp - NBUF
                    if prev >= 0:
                        out_dma(prev, kp % NBUF).wait()
                    in_dma(kp, kp % NBUF).start()

            @pl.when(valid(k))
            def _(k=k, slot=slot):
                in_dma(k, slot).wait()
                out_dma(k, slot).start()

        for k in range(MAX_K):
            @pl.when(jnp.logical_and(valid(k), jnp.logical_not(valid(k + NBUF))))
            def _(k=k):
                out_dma(k, k % NBUF).wait()

    return copy_k(embedding_table)

# --- scband reference (transcript-rebuilt; emitter-appended) ---
"""Pipeline reference for scband-node-to-vec-29781303230875 (READ-ONLY COPY).

The authoritative reference and input builder live on the scoring server;
editing this copy changes nothing except your own understanding.
"""

import jax, jax.numpy as jnp
import numpy as np

NUM_NODES = 100000
EMBED_DIM = 128

def setup_inputs(seed: int = 0) -> dict:
    key = jax.random.key(seed)
    embedding_table = jax.random.normal(key, (NUM_NODES, EMBED_DIM), dtype=jnp.float32)
    return {"embedding_table": embedding_table}

def reference(embedding_table):
    # PyG Node2Vec.forward(batch=None) returns the full embedding weight matrix,
    # i.e. an identity gather over all node ids.
    idx = jnp.arange(embedding_table.shape[0])
    return jnp.take(embedding_table, idx, axis=0)

if __name__ == "__main__":
    import jax
    _d = setup_inputs()
    print(jax.jit(kernel)(*tuple(_d.values())))

</pallas_src>

<mosaic_0001>
#map = affine_map<(d0, d1) -> (0, 0)>
module attributes {stable_mosaic.version = 14 : i64} {
  func.func @copy_k(%arg0: i32, %arg1: i32, %arg2: memref<100000x128xf32, #tpu.memory_space<hbm>>, %arg3: memref<100000x128xf32, #tpu.memory_space<hbm>>, %arg4: memref<2x400x128xf32, #tpu.memory_space<vmem>>, %arg5: memref<2x!tpu.dma_semaphore, #tpu.memory_space<semaphore_mem>>, %arg6: memref<2x!tpu.dma_semaphore, #tpu.memory_space<semaphore_mem>>) attributes {dimension_semantics = [#tpu.dimension_semantics<core_parallel>, #tpu.dimension_semantics<subcore_parallel>], iteration_bounds = array<i64: 2, 16>, scalar_prefetch = 0 : i64, scratch_operands = 3 : i64, tpu.core_type = #tpu.core_type<sc_vector_subcore>, window_params = [{transform_indices = #map}, {transform_indices = #map}]} {
    %mul3A = arith.constant 2 : i32
    %mul3A_0 = arith.muli %arg1, %mul3A : i32
    %add3A = arith.addi %mul3A_0, %arg0 : i32
    %add3A_1 = arith.constant 0 : i32
    %add3A_2 = arith.addi %add3A, %add3A_1 : i32
    %lt3A = arith.constant 250 : i32
    %lt3A_3 = arith.cmpi slt, %add3A_2, %lt3A : i32
    %convert_element_type3A = arith.extui %lt3A_3 : i1 to i32
    %cond3A = arith.constant 0 : i32
    %cond3A_4 = arith.cmpi ne, %convert_element_type3A, %cond3A : i32
    scf.if %cond3A_4 {
      %add3A_220 = arith.constant 0 : i32
      %add3A_221 = arith.addi %add3A, %add3A_220 : i32
      %mul3A_222 = arith.constant 400 : i32
      %mul3A_223 = arith.muli %add3A_221, %mul3A_222 : i32
      %dma_start3A = arith.constant 0 : i32
      %dma_start3A_224 = arith.constant 0 : i32
      %dma_start3A_225 = arith.constant 0 : i32
      %dma_start3A_226 = arith.constant 0 : i32
      %dma_start3A_227 = tpu.memref_slice %arg4[%dma_start3A, %dma_start3A_225, %dma_start3A_226] : memref<2x400x128xf32, #tpu.memory_space<vmem>> -> memref<1x400x128xf32, #tpu.memory_space<vmem>>
      %dma_start3A_228 = tpu.memref_squeeze %dma_start3A_227 : memref<1x400x128xf32, #tpu.memory_space<vmem>> -> memref<400x128xf32, #tpu.memory_space<vmem>>
      %dma_start3A_229 = arith.constant 0 : i32
      %dma_start3A_230 = tpu.memref_slice %arg2[%mul3A_223, %dma_start3A_229] : memref<100000x128xf32, #tpu.memory_space<hbm>> -> memref<400x128xf32, #tpu.memory_space<hbm>>
      %dma_start3A_231 = tpu.memref_slice %arg5[%dma_start3A_224] : memref<2x!tpu.dma_semaphore, #tpu.memory_space<semaphore_mem>> -> memref<1x!tpu.dma_semaphore, #tpu.memory_space<semaphore_mem>>
      %dma_start3A_232 = tpu.memref_squeeze %dma_start3A_231 : memref<1x!tpu.dma_semaphore, #tpu.memory_space<semaphore_mem>> -> memref<!tpu.dma_semaphore, #tpu.memory_space<semaphore_mem>>
      %dma_start3A_233 = arith.constant 0 : i32
      %dma_start3A_234 = arith.constant 0 : i32
      %dma_start3A_235 = tpu.memref_slice %arg4[%dma_start3A, %dma_start3A_233, %dma_start3A_234] : memref<2x400x128xf32, #tpu.memory_space<vmem>> -> memref<1x400x128xf32, #tpu.memory_space<vmem>>
      %dma_start3A_236 = tpu.memref_squeeze %dma_start3A_235 : memref<1x400x128xf32, #tpu.memory_space<vmem>> -> memref<400x128xf32, #tpu.memory_space<vmem>>
      %dma_start3A_237 = arith.constant 0 : i32
      %dma_start3A_238 = tpu.memref_slice %arg2[%mul3A_223, %dma_start3A_237] : memref<100000x128xf32, #tpu.memory_space<hbm>> -> memref<400x128xf32, #tpu.memory_space<hbm>>
      tpu.enqueue_dma source(%dma_start3A_238 : memref<400x128xf32, #tpu.memory_space<hbm>>) target(%dma_start3A_236 : memref<400x128xf32, #tpu.memory_space<vmem>>) target_semaphore(%dma_start3A_232 : memref<!tpu.dma_semaphore, #tpu.memory_space<semaphore_mem>>)
    } else {
    }
    %add3A_5 = arith.constant 32 : i32
    %add3A_6 = arith.addi %add3A, %add3A_5 : i32
    %lt3A_7 = arith.constant 250 : i32
    %lt3A_8 = arith.cmpi slt, %add3A_6, %lt3A_7 : i32
    %convert_element_type3A_9 = arith.extui %lt3A_8 : i1 to i32
    %cond3A_10 = arith.constant 0 : i32
    %cond3A_11 = arith.cmpi ne, %convert_element_type3A_9, %cond3A_10 : i32
    scf.if %cond3A_11 {
      %add3A_220 = arith.constant 32 : i32
      %add3A_221 = arith.addi %add3A, %add3A_220 : i32
      %mul3A_222 = arith.constant 400 : i32
      %mul3A_223 = arith.muli %add3A_221, %mul3A_222 : i32
      %dma_start3A = arith.constant 1 : i32
      %dma_start3A_224 = arith.constant 1 : i32
      %dma_start3A_225 = arith.constant 0 : i32
      %dma_start3A_226 = arith.constant 0 : i32
      %dma_start3A_227 = tpu.memref_slice %arg4[%dma_start3A, %dma_start3A_225, %dma_start3A_226] : memref<2x400x128xf32, #tpu.memory_space<vmem>> -> memref<1x400x128xf32, #tpu.memory_space<vmem>>
      %dma_start3A_228 = tpu.memref_squeeze %dma_start3A_227 : memref<1x400x128xf32, #tpu.memory_space<vmem>> -> memref<400x128xf32, #tpu.memory_space<vmem>>
      %dma_start3A_229 = arith.constant 0 : i32
      %dma_start3A_230 = tpu.memref_slice %arg2[%mul3A_223, %dma_start3A_229] : memref<100000x128xf32, #tpu.memory_space<hbm>> -> memref<400x128xf32, #tpu.memory_space<hbm>>
      %dma_start3A_231 = tpu.memref_slice %arg5[%dma_start3A_224] : memref<2x!tpu.dma_semaphore, #tpu.memory_space<semaphore_mem>> -> memref<1x!tpu.dma_semaphore, #tpu.memory_space<semaphore_mem>>
      %dma_start3A_232 = tpu.memref_squeeze %dma_start3A_231 : memref<1x!tpu.dma_semaphore, #tpu.memory_space<semaphore_mem>> -> memref<!tpu.dma_semaphore, #tpu.memory_space<semaphore_mem>>
      %dma_start3A_233 = arith.constant 0 : i32
      %dma_start3A_234 = arith.constant 0 : i32
      %dma_start3A_235 = tpu.memref_slice %arg4[%dma_start3A, %dma_start3A_233, %dma_start3A_234] : memref<2x400x128xf32, #tpu.memory_space<vmem>> -> memref<1x400x128xf32, #tpu.memory_space<vmem>>
      %dma_start3A_236 = tpu.memref_squeeze %dma_start3A_235 : memref<1x400x128xf32, #tpu.memory_space<vmem>> -> memref<400x128xf32, #tpu.memory_space<vmem>>
      %dma_start3A_237 = arith.constant 0 : i32
      %dma_start3A_238 = tpu.memref_slice %arg2[%mul3A_223, %dma_start3A_237] : memref<100000x128xf32, #tpu.memory_space<hbm>> -> memref<400x128xf32, #tpu.memory_space<hbm>>
      tpu.enqueue_dma source(%dma_start3A_238 : memref<400x128xf32, #tpu.memory_space<hbm>>) target(%dma_start3A_236 : memref<400x128xf32, #tpu.memory_space<vmem>>) target_semaphore(%dma_start3A_232 : memref<!tpu.dma_semaphore, #tpu.memory_space<semaphore_mem>>)
    } else {
    }
    %add3A_12 = arith.constant 0 : i32
    %add3A_13 = arith.addi %add3A, %add3A_12 : i32
    %lt3A_14 = arith.constant 250 : i32
    %lt3A_15 = arith.cmpi slt, %add3A_13, %lt3A_14 : i32
    %convert_element_type3A_16 = arith.extui %lt3A_15 : i1 to i32
    %cond3A_17 = arith.constant 0 : i32
    %cond3A_18 = arith.cmpi ne, %convert_element_type3A_16, %cond3A_17 : i32
    scf.if %cond3A_18 {
      %add3A_220 = arith.constant 0 : i32
      %add3A_221 = arith.addi %add3A, %add3A_220 : i32
      %mul3A_222 = arith.constant 400 : i32
      %mul3A_223 = arith.muli %add3A_221, %mul3A_222 : i32
      %dma_wait3A = arith.constant 0 : i32
      %dma_wait3A_224 = arith.constant 0 : i32
      %dma_wait3A_225 = arith.constant 0 : i32
      %dma_wait3A_226 = arith.constant 0 : i32
      %dma_wait3A_227 = tpu.memref_slice %arg4[%dma_wait3A, %dma_wait3A_225, %dma_wait3A_226] : memref<2x400x128xf32, #tpu.memory_space<vmem>> -> memref<1x400x128xf32, #tpu.memory_space<vmem>>
      %dma_wait3A_228 = tpu.memref_squeeze %dma_wait3A_227 : memref<1x400x128xf32, #tpu.memory_space<vmem>> -> memref<400x128xf32, #tpu.memory_space<vmem>>
      %dma_wait3A_229 = arith.constant 0 : i32
      %dma_wait3A_230 = tpu.memref_slice %arg2[%mul3A_223, %dma_wait3A_229] : memref<100000x128xf32, #tpu.memory_space<hbm>> -> memref<400x128xf32, #tpu.memory_space<hbm>>
      %dma_wait3A_231 = tpu.memref_slice %arg5[%dma_wait3A_224] : memref<2x!tpu.dma_semaphore, #tpu.memory_space<semaphore_mem>> -> memref<1x!tpu.dma_semaphore, #tpu.memory_space<semaphore_mem>>
      %dma_wait3A_232 = tpu.memref_squeeze %dma_wait3A_231 : memref<1x!tpu.dma_semaphore, #tpu.memory_space<semaphore_mem>> -> memref<!tpu.dma_semaphore, #tpu.memory_space<semaphore_mem>>
      %dma_wait3A_233 = arith.constant 0 : i32
      %dma_wait3A_234 = arith.constant 0 : i32
      %dma_wait3A_235 = tpu.memref_slice %arg4[%dma_wait3A, %dma_wait3A_233, %dma_wait3A_234] : memref<2x400x128xf32, #tpu.memory_space<vmem>> -> memref<1x400x128xf32, #tpu.memory_space<vmem>>
      %dma_wait3A_236 = tpu.memref_squeeze %dma_wait3A_235 : memref<1x400x128xf32, #tpu.memory_space<vmem>> -> memref<400x128xf32, #tpu.memory_space<vmem>>
      %dma_wait3A_237 = arith.constant 0 : i32
      %dma_wait3A_238 = tpu.memref_slice %arg2[%mul3A_223, %dma_wait3A_237] : memref<100000x128xf32, #tpu.memory_space<hbm>> -> memref<400x128xf32, #tpu.memory_space<hbm>>
      tpu.wait_dma2 semaphore(%dma_wait3A_232 : memref<!tpu.dma_semaphore, #tpu.memory_space<semaphore_mem>>) src(%dma_wait3A_238 : memref<400x128xf32, #tpu.memory_space<hbm>>) dst(%dma_wait3A_236 : memref<400x128xf32, #tpu.memory_space<vmem>>)
      %add3A_239 = arith.constant 0 : i32
      %add3A_240 = arith.addi %add3A, %add3A_239 : i32
      %mul3A_241 = arith.constant 400 : i32
      %mul3A_242 = arith.muli %add3A_240, %mul3A_241 : i32
      %dma_start3A = arith.constant 0 : i32
      %dma_start3A_243 = arith.constant 0 : i32
      %dma_start3A_244 = arith.constant 0 : i32
      %dma_start3A_245 = arith.constant 0 : i32
      %dma_start3A_246 = tpu.memref_slice %arg4[%dma_start3A, %dma_start3A_244, %dma_start3A_245] : memref<2x400x128xf32, #tpu.memory_space<vmem>> -> memref<1x400x128xf32, #tpu.memory_space<vmem>>
      %dma_start3A_247 = tpu.memref_squeeze %dma_start3A_246 : memref<1x400x128xf32, #tpu.memory_space<vmem>> -> memref<400x128xf32, #tpu.memory_space<vmem>>
      %dma_start3A_248 = arith.constant 0 : i32
      %dma_start3A_249 = tpu.memref_slice %arg3[%mul3A_242, %dma_start3A_248] : memref<100000x128xf32, #tpu.memory_space<hbm>> -> memref<400x128xf32, #tpu.memory_space<hbm>>
      %dma_start3A_250 = tpu.memref_slice %arg6[%dma_start3A_243] : memref<2x!tpu.dma_semaphore, #tpu.memory_space<semaphore_mem>> -> memref<1x!tpu.dma_semaphore, #tpu.memory_space<semaphore_mem>>
      %dma_start3A_251 = tpu.memref_squeeze %dma_start3A_250 : memref<1x!tpu.dma_semaphore, #tpu.memory_space<semaphore_mem>> -> memref<!tpu.dma_semaphore, #tpu.memory_space<semaphore_mem>>
      %dma_start3A_252 = arith.constant 0 : i32
      %dma_start3A_253 = tpu.memref_slice %arg3[%mul3A_242, %dma_start3A_252] : memref<100000x128xf32, #tpu.memory_space<hbm>> -> memref<400x128xf32, #tpu.memory_space<hbm>>
      %dma_start3A_254 = arith.constant 0 : i32
      %dma_start3A_255 = arith.constant 0 : i32
      %dma_start3A_256 = tpu.memref_slice %arg4[%dma_start3A, %dma_start3A_254, %dma_start3A_255] : memref<2x400x128xf32, #tpu.memory_space<vmem>> -> memref<1x400x128xf32, #tpu.memory_space<vmem>>
      %dma_start3A_257 = tpu.memref_squeeze %dma_start3A_256 : memref<1x400x128xf32, #tpu.memory_space<vmem>> -> memref<400x128xf32, #tpu.memory_space<vmem>>
      tpu.enqueue_dma source(%dma_start3A_257 : memref<400x128xf32, #tpu.memory_space<vmem>>) target(%dma_start3A_253 : memref<400x128xf32, #tpu.memory_space<hbm>>) target_semaphore(%dma_start3A_251 : memref<!tpu.dma_semaphore, #tpu.memory_space<semaphore_mem>>)
    } else {
    }
    %add3A_19 = arith.constant 64 : i32
    %add3A_20 = arith.addi %add3A, %add3A_19 : i32
    %lt3A_21 = arith.constant 250 : i32
    %lt3A_22 = arith.cmpi slt, %add3A_20, %lt3A_21 : i32
    %convert_element_type3A_23 = arith.extui %lt3A_22 : i1 to i32
    %cond3A_24 = arith.constant 0 : i32
    %cond3A_25 = arith.cmpi ne, %convert_element_type3A_23, %cond3A_24 : i32
    scf.if %cond3A_25 {
      %add3A_220 = arith.constant 0 : i32
      %add3A_221 = arith.addi %add3A, %add3A_220 : i32
      %mul3A_222 = arith.constant 400 : i32
      %mul3A_223 = arith.muli %add3A_221, %mul3A_222 : i32
      %dma_wait3A = arith.constant 0 : i32
      %dma_wait3A_224 = arith.constant 0 : i32
      %dma_wait3A_225 = arith.constant 0 : i32
      %dma_wait3A_226 = arith.constant 0 : i32
      %dma_wait3A_227 = tpu.memref_slice %arg4[%dma_wait3A, %dma_wait3A_225, %dma_wait3A_226] : memref<2x400x128xf32, #tpu.memory_space<vmem>> -> memref<1x400x128xf32, #tpu.memory_space<vmem>>
      %dma_wait3A_228 = tpu.memref_squeeze %dma_wait3A_227 : memref<1x400x128xf32, #tpu.memory_space<vmem>> -> memref<400x128xf32, #tpu.memory_space<vmem>>
      %dma_wait3A_229 = arith.constant 0 : i32
      %dma_wait3A_230 = tpu.memref_slice %arg3[%mul3A_223, %dma_wait3A_229] : memref<100000x128xf32, #tpu.memory_space<hbm>> -> memref<400x128xf32, #tpu.memory_space<hbm>>
      %dma_wait3A_231 = tpu.memref_slice %arg6[%dma_wait3A_224] : memref<2x!tpu.dma_semaphore, #tpu.memory_space<semaphore_mem>> -> memref<1x!tpu.dma_semaphore, #tpu.memory_space<semaphore_mem>>
      %dma_wait3A_232 = tpu.memref_squeeze %dma_wait3A_231 : memref<1x!tpu.dma_semaphore, #tpu.memory_space<semaphore_mem>> -> memref<!tpu.dma_semaphore, #tpu.memory_space<semaphore_mem>>
      %dma_wait3A_233 = arith.constant 0 : i32
      %dma_wait3A_234 = tpu.memref_slice %arg3[%mul3A_223, %dma_wait3A_233] : memref<100000x128xf32, #tpu.memory_space<hbm>> -> memref<400x128xf32, #tpu.memory_space<hbm>>
      %dma_wait3A_235 = arith.constant 0 : i32
      %dma_wait3A_236 = arith.constant 0 : i32
      %dma_wait3A_237 = tpu.memref_slice %arg4[%dma_wait3A, %dma_wait3A_235, %dma_wait3A_236] : memref<2x400x128xf32, #tpu.memory_space<vmem>> -> memref<1x400x128xf32, #tpu.memory_space<vmem>>
      %dma_wait3A_238 = tpu.memref_squeeze %dma_wait3A_237 : memref<1x400x128xf32, #tpu.memory_space<vmem>> -> memref<400x128xf32, #tpu.memory_space<vmem>>
      tpu.wait_dma2 semaphore(%dma_wait3A_232 : memref<!tpu.dma_semaphore, #tpu.memory_space<semaphore_mem>>) src(%dma_wait3A_238 : memref<400x128xf32, #tpu.memory_space<vmem>>) dst(%dma_wait3A_234 : memref<400x128xf32, #tpu.memory_space<hbm>>)
      %add3A_239 = arith.constant 64 : i32
      %add3A_240 = arith.addi %add3A, %add3A_239 : i32
      %mul3A_241 = arith.constant 400 : i32
      %mul3A_242 = arith.muli %add3A_240, %mul3A_241 : i32
      %dma_start3A = arith.constant 0 : i32
      %dma_start3A_243 = arith.constant 0 : i32
      %dma_start3A_244 = arith.constant 0 : i32
      %dma_start3A_245 = arith.constant 0 : i32
      %dma_start3A_246 = tpu.memref_slice %arg4[%dma_start3A, %dma_start3A_244, %dma_start3A_245] : memref<2x400x128xf32, #tpu.memory_space<vmem>> -> memref<1x400x128xf32, #tpu.memory_space<vmem>>
      %dma_start3A_247 = tpu.memref_squeeze %dma_start3A_246 : memref<1x400x128xf32, #tpu.memory_space<vmem>> -> memref<400x128xf32, #tpu.memory_space<vmem>>
      %dma_start3A_248 = arith.constant 0 : i32
      %dma_start3A_249 = tpu.memref_slice %arg2[%mul3A_242, %dma_start3A_248] : memref<100000x128xf32, #tpu.memory_space<hbm>> -> memref<400x128xf32, #tpu.memory_space<hbm>>
      %dma_start3A_250 = tpu.memref_slice %arg5[%dma_start3A_243] : memref<2x!tpu.dma_semaphore, #tpu.memory_space<semaphore_mem>> -> memref<1x!tpu.dma_semaphore, #tpu.memory_space<semaphore_mem>>
      %dma_start3A_251 = tpu.memref_squeeze %dma_start3A_250 : memref<1x!tpu.dma_semaphore, #tpu.memory_space<semaphore_mem>> -> memref<!tpu.dma_semaphore, #tpu.memory_space<semaphore_mem>>
      %dma_start3A_252 = arith.constant 0 : i32
      %dma_start3A_253 = arith.constant 0 : i32
      %dma_start3A_254 = tpu.memref_slice %arg4[%dma_start3A, %dma_start3A_252, %dma_start3A_253] : memref<2x400x128xf32, #tpu.memory_space<vmem>> -> memref<1x400x128xf32, #tpu.memory_space<vmem>>
      %dma_start3A_255 = tpu.memref_squeeze %dma_start3A_254 : memref<1x400x128xf32, #tpu.memory_space<vmem>> -> memref<400x128xf32, #tpu.memory_space<vmem>>
      %dma_start3A_256 = arith.constant 0 : i32
      %dma_start3A_257 = tpu.memref_slice %arg2[%mul3A_242, %dma_start3A_256] : memref<100000x128xf32, #tpu.memory_space<hbm>> -> memref<400x128xf32, #tpu.memory_space<hbm>>
      tpu.enqueue_dma source(%dma_start3A_257 : memref<400x128xf32, #tpu.memory_space<hbm>>) target(%dma_start3A_255 : memref<400x128xf32, #tpu.memory_space<vmem>>) target_semaphore(%dma_start3A_251 : memref<!tpu.dma_semaphore, #tpu.memory_space<semaphore_mem>>)
    } else {
    }
    %add3A_26 = arith.constant 32 : i32
    %add3A_27 = arith.addi %add3A, %add3A_26 : i32
    %lt3A_28 = arith.constant 250 : i32
    %lt3A_29 = arith.cmpi slt, %add3A_27, %lt3A_28 : i32
    %convert_element_type3A_30 = arith.extui %lt3A_29 : i1 to i32
    %cond3A_31 = arith.constant 0 : i32
    %cond3A_32 = arith.cmpi ne, %convert_element_type3A_30, %cond3A_31 : i32
    scf.if %cond3A_32 {
      %add3A_220 = arith.constant 32 : i32
      %add3A_221 = arith.addi %add3A, %add3A_220 : i32
      %mul3A_222 = arith.constant 400 : i32
      %mul3A_223 = arith.muli %add3A_221, %mul3A_222 : i32
      %dma_wait3A = arith.constant 1 : i32
      %dma_wait3A_224 = arith.constant 1 : i32
      %dma_wait3A_225 = arith.constant 0 : i32
      %dma_wait3A_226 = arith.constant 0 : i32
      %dma_wait3A_227 = tpu.memref_slice %arg4[%dma_wait3A, %dma_wait3A_225, %dma_wait3A_226] : memref<2x400x128xf32, #tpu.memory_space<vmem>> -> memref<1x400x128xf32, #tpu.memory_space<vmem>>
      %dma_wait3A_228 = tpu.memref_squeeze %dma_wait3A_227 : memref<1x400x128xf32, #tpu.memory_space<vmem>> -> memref<400x128xf32, #tpu.memory_space<vmem>>
      %dma_wait3A_229 = arith.constant 0 : i32
      %dma_wait3A_230 = tpu.memref_slice %arg2[%mul3A_223, %dma_wait3A_229] : memref<100000x128xf32, #tpu.memory_space<hbm>> -> memref<400x128xf32, #tpu.memory_space<hbm>>
      %dma_wait3A_231 = tpu.memref_slice %arg5[%dma_wait3A_224] : memref<2x!tpu.dma_semaphore, #tpu.memory_space<semaphore_mem>> -> memref<1x!tpu.dma_semaphore, #tpu.memory_space<semaphore_mem>>
      %dma_wait3A_232 = tpu.memref_squeeze %dma_wait3A_231 : memref<1x!tpu.dma_semaphore, #tpu.memory_space<semaphore_mem>> -> memref<!tpu.dma_semaphore, #tpu.memory_space<semaphore_mem>>
      %dma_wait3A_233 = arith.constant 0 : i32
      %dma_wait3A_234 = arith.constant 0 : i32
      %dma_wait3A_235 = tpu.memref_slice %arg4[%dma_wait3A, %dma_wait3A_233, %dma_wait3A_234] : memref<2x400x128xf32, #tpu.memory_space<vmem>> -> memref<1x400x128xf32, #tpu.memory_space<vmem>>
      %dma_wait3A_236 = tpu.memref_squeeze %dma_wait3A_235 : memref<1x400x128xf32, #tpu.memory_space<vmem>> -> memref<400x128xf32, #tpu.memory_space<vmem>>
      %dma_wait3A_237 = arith.constant 0 : i32
      %dma_wait3A_238 = tpu.memref_slice %arg2[%mul3A_223, %dma_wait3A_237] : memref<100000x128xf32, #tpu.memory_space<hbm>> -> memref<400x128xf32, #tpu.memory_space<hbm>>
      tpu.wait_dma2 semaphore(%dma_wait3A_232 : memref<!tpu.dma_semaphore, #tpu.memory_space<semaphore_mem>>) src(%dma_wait3A_238 : memref<400x128xf32, #tpu.memory_space<hbm>>) dst(%dma_wait3A_236 : memref<400x128xf32, #tpu.memory_space<vmem>>)
      %add3A_239 = arith.constant 32 : i32
      %add3A_240 = arith.addi %add3A, %add3A_239 : i32
      %mul3A_241 = arith.constant 400 : i32
      %mul3A_242 = arith.muli %add3A_240, %mul3A_241 : i32
      %dma_start3A = arith.constant 1 : i32
      %dma_start3A_243 = arith.constant 1 : i32
      %dma_start3A_244 = arith.constant 0 : i32
      %dma_start3A_245 = arith.constant 0 : i32
      %dma_start3A_246 = tpu.memref_slice %arg4[%dma_start3A, %dma_start3A_244, %dma_start3A_245] : memref<2x400x128xf32, #tpu.memory_space<vmem>> -> memref<1x400x128xf32, #tpu.memory_space<vmem>>
      %dma_start3A_247 = tpu.memref_squeeze %dma_start3A_246 : memref<1x400x128xf32, #tpu.memory_space<vmem>> -> memref<400x128xf32, #tpu.memory_space<vmem>>
      %dma_start3A_248 = arith.constant 0 : i32
      %dma_start3A_249 = tpu.memref_slice %arg3[%mul3A_242, %dma_start3A_248] : memref<100000x128xf32, #tpu.memory_space<hbm>> -> memref<400x128xf32, #tpu.memory_space<hbm>>
      %dma_start3A_250 = tpu.memref_slice %arg6[%dma_start3A_243] : memref<2x!tpu.dma_semaphore, #tpu.memory_space<semaphore_mem>> -> memref<1x!tpu.dma_semaphore, #tpu.memory_space<semaphore_mem>>
      %dma_start3A_251 = tpu.memref_squeeze %dma_start3A_250 : memref<1x!tpu.dma_semaphore, #tpu.memory_space<semaphore_mem>> -> memref<!tpu.dma_semaphore, #tpu.memory_space<semaphore_mem>>
      %dma_start3A_252 = arith.constant 0 : i32
      %dma_start3A_253 = tpu.memref_slice %arg3[%mul3A_242, %dma_start3A_252] : memref<100000x128xf32, #tpu.memory_space<hbm>> -> memref<400x128xf32, #tpu.memory_space<hbm>>
      %dma_start3A_254 = arith.constant 0 : i32
      %dma_start3A_255 = arith.constant 0 : i32
      %dma_start3A_256 = tpu.memref_slice %arg4[%dma_start3A, %dma_start3A_254, %dma_start3A_255] : memref<2x400x128xf32, #tpu.memory_space<vmem>> -> memref<1x400x128xf32, #tpu.memory_space<vmem>>
      %dma_start3A_257 = tpu.memref_squeeze %dma_start3A_256 : memref<1x400x128xf32, #tpu.memory_space<vmem>> -> memref<400x128xf32, #tpu.memory_space<vmem>>
      tpu.enqueue_dma source(%dma_start3A_257 : memref<400x128xf32, #tpu.memory_space<vmem>>) target(%dma_start3A_253 : memref<400x128xf32, #tpu.memory_space<hbm>>) target_semaphore(%dma_start3A_251 : memref<!tpu.dma_semaphore, #tpu.memory_space<semaphore_mem>>)
    } else {
    }
    %add3A_33 = arith.constant 96 : i32
    %add3A_34 = arith.addi %add3A, %add3A_33 : i32
    %lt3A_35 = arith.constant 250 : i32
    %lt3A_36 = arith.cmpi slt, %add3A_34, %lt3A_35 : i32
    %convert_element_type3A_37 = arith.extui %lt3A_36 : i1 to i32
    %cond3A_38 = arith.constant 0 : i32
    %cond3A_39 = arith.cmpi ne, %convert_element_type3A_37, %cond3A_38 : i32
    scf.if %cond3A_39 {
      %add3A_220 = arith.constant 32 : i32
      %add3A_221 = arith.addi %add3A, %add3A_220 : i32
      %mul3A_222 = arith.constant 400 : i32
      %mul3A_223 = arith.muli %add3A_221, %mul3A_222 : i32
      %dma_wait3A = arith.constant 1 : i32
      %dma_wait3A_224 = arith.constant 1 : i32
      %dma_wait3A_225 = arith.constant 0 : i32
      %dma_wait3A_226 = arith.constant 0 : i32
      %dma_wait3A_227 = tpu.memref_slice %arg4[%dma_wait3A, %dma_wait3A_225, %dma_wait3A_226] : memref<2x400x128xf32, #tpu.memory_space<vmem>> -> memref<1x400x128xf32, #tpu.memory_space<vmem>>
      %dma_wait3A_228 = tpu.memref_squeeze %dma_wait3A_227 : memref<1x400x128xf32, #tpu.memory_space<vmem>> -> memref<400x128xf32, #tpu.memory_space<vmem>>
      %dma_wait3A_229 = arith.constant 0 : i32
      %dma_wait3A_230 = tpu.memref_slice %arg3[%mul3A_223, %dma_wait3A_229] : memref<100000x128xf32, #tpu.memory_space<hbm>> -> memref<400x128xf32, #tpu.memory_space<hbm>>
      %dma_wait3A_231 = tpu.memref_slice %arg6[%dma_wait3A_224] : memref<2x!tpu.dma_semaphore, #tpu.memory_space<semaphore_mem>> -> memref<1x!tpu.dma_semaphore, #tpu.memory_space<semaphore_mem>>
      %dma_wait3A_232 = tpu.memref_squeeze %dma_wait3A_231 : memref<1x!tpu.dma_semaphore, #tpu.memory_space<semaphore_mem>> -> memref<!tpu.dma_semaphore, #tpu.memory_space<semaphore_mem>>
      %dma_wait3A_233 = arith.constant 0 : i32
      %dma_wait3A_234 = tpu.memref_slice %arg3[%mul3A_223, %dma_wait3A_233] : memref<100000x128xf32, #tpu.memory_space<hbm>> -> memref<400x128xf32, #tpu.memory_space<hbm>>
      %dma_wait3A_235 = arith.constant 0 : i32
      %dma_wait3A_236 = arith.constant 0 : i32
      %dma_wait3A_237 = tpu.memref_slice %arg4[%dma_wait3A, %dma_wait3A_235, %dma_wait3A_236] : memref<2x400x128xf32, #tpu.memory_space<vmem>> -> memref<1x400x128xf32, #tpu.memory_space<vmem>>
      %dma_wait3A_238 = tpu.memref_squeeze %dma_wait3A_237 : memref<1x400x128xf32, #tpu.memory_space<vmem>> -> memref<400x128xf32, #tpu.memory_space<vmem>>
      tpu.wait_dma2 semaphore(%dma_wait3A_232 : memref<!tpu.dma_semaphore, #tpu.memory_space<semaphore_mem>>) src(%dma_wait3A_238 : memref<400x128xf32, #tpu.memory_space<vmem>>) dst(%dma_wait3A_234 : memref<400x128xf32, #tpu.memory_space<hbm>>)
      %add3A_239 = arith.constant 96 : i32
      %add3A_240 = arith.addi %add3A, %add3A_239 : i32
      %mul3A_241 = arith.constant 400 : i32
      %mul3A_242 = arith.muli %add3A_240, %mul3A_241 : i32
      %dma_start3A = arith.constant 1 : i32
      %dma_start3A_243 = arith.constant 1 : i32
      %dma_start3A_244 = arith.constant 0 : i32
      %dma_start3A_245 = arith.constant 0 : i32
      %dma_start3A_246 = tpu.memref_slice %arg4[%dma_start3A, %dma_start3A_244, %dma_start3A_245] : memref<2x400x128xf32, #tpu.memory_space<vmem>> -> memref<1x400x128xf32, #tpu.memory_space<vmem>>
      %dma_start3A_247 = tpu.memref_squeeze %dma_start3A_246 : memref<1x400x128xf32, #tpu.memory_space<vmem>> -> memref<400x128xf32, #tpu.memory_space<vmem>>
      %dma_start3A_248 = arith.constant 0 : i32
      %dma_start3A_249 = tpu.memref_slice %arg2[%mul3A_242, %dma_start3A_248] : memref<100000x128xf32, #tpu.memory_space<hbm>> -> memref<400x128xf32, #tpu.memory_space<hbm>>
      %dma_start3A_250 = tpu.memref_slice %arg5[%dma_start3A_243] : memref<2x!tpu.dma_semaphore, #tpu.memory_space<semaphore_mem>> -> memref<1x!tpu.dma_semaphore, #tpu.memory_space<semaphore_mem>>
      %dma_start3A_251 = tpu.memref_squeeze %dma_start3A_250 : memref<1x!tpu.dma_semaphore, #tpu.memory_space<semaphore_mem>> -> memref<!tpu.dma_semaphore, #tpu.memory_space<semaphore_mem>>
      %dma_start3A_252 = arith.constant 0 : i32
      %dma_start3A_253 = arith.constant 0 : i32
      %dma_start3A_254 = tpu.memref_slice %arg4[%dma_start3A, %dma_start3A_252, %dma_start3A_253] : memref<2x400x128xf32, #tpu.memory_space<vmem>> -> memref<1x400x128xf32, #tpu.memory_space<vmem>>
      %dma_start3A_255 = tpu.memref_squeeze %dma_start3A_254 : memref<1x400x128xf32, #tpu.memory_space<vmem>> -> memref<400x128xf32, #tpu.memory_space<vmem>>
      %dma_start3A_256 = arith.constant 0 : i32
      %dma_start3A_257 = tpu.memref_slice %arg2[%mul3A_242, %dma_start3A_256] : memref<100000x128xf32, #tpu.memory_space<hbm>> -> memref<400x128xf32, #tpu.memory_space<hbm>>
      tpu.enqueue_dma source(%dma_start3A_257 : memref<400x128xf32, #tpu.memory_space<hbm>>) target(%dma_start3A_255 : memref<400x128xf32, #tpu.memory_space<vmem>>) target_semaphore(%dma_start3A_251 : memref<!tpu.dma_semaphore, #tpu.memory_space<semaphore_mem>>)
    } else {
    }
    %add3A_40 = arith.constant 64 : i32
    %add3A_41 = arith.addi %add3A, %add3A_40 : i32
    %lt3A_42 = arith.constant 250 : i32
    %lt3A_43 = arith.cmpi slt, %add3A_41, %lt3A_42 : i32
    %convert_element_type3A_44 = arith.extui %lt3A_43 : i1 to i32
    %cond3A_45 = arith.constant 0 : i32
    %cond3A_46 = arith.cmpi ne, %convert_element_type3A_44, %cond3A_45 : i32
    scf.if %cond3A_46 {
      %add3A_220 = arith.constant 64 : i32
      %add3A_221 = arith.addi %add3A, %add3A_220 : i32
      %mul3A_222 = arith.constant 400 : i32
      %mul3A_223 = arith.muli %add3A_221, %mul3A_222 : i32
      %dma_wait3A = arith.constant 0 : i32
      %dma_wait3A_224 = arith.constant 0 : i32
      %dma_wait3A_225 = arith.constant 0 : i32
      %dma_wait3A_226 = arith.constant 0 : i32
      %dma_wait3A_227 = tpu.memref_slice %arg4[%dma_wait3A, %dma_wait3A_225, %dma_wait3A_226] : memref<2x400x128xf32, #tpu.memory_space<vmem>> -> memref<1x400x128xf32, #tpu.memory_space<vmem>>
      %dma_wait3A_228 = tpu.memref_squeeze %dma_wait3A_227 : memref<1x400x128xf32, #tpu.memory_space<vmem>> -> memref<400x128xf32, #tpu.memory_space<vmem>>
      %dma_wait3A_229 = arith.constant 0 : i32
      %dma_wait3A_230 = tpu.memref_slice %arg2[%mul3A_223, %dma_wait3A_229] : memref<100000x128xf32, #tpu.memory_space<hbm>> -> memref<400x128xf32, #tpu.memory_space<hbm>>
      %dma_wait3A_231 = tpu.memref_slice %arg5[%dma_wait3A_224] : memref<2x!tpu.dma_semaphore, #tpu.memory_space<semaphore_mem>> -> memref<1x!tpu.dma_semaphore, #tpu.memory_space<semaphore_mem>>
      %dma_wait3A_232 = tpu.memref_squeeze %dma_wait3A_231 : memref<1x!tpu.dma_semaphore, #tpu.memory_space<semaphore_mem>> -> memref<!tpu.dma_semaphore, #tpu.memory_space<semaphore_mem>>
      %dma_wait3A_233 = arith.constant 0 : i32
      %dma_wait3A_234 = arith.constant 0 : i32
      %dma_wait3A_235 = tpu.memref_slice %arg4[%dma_wait3A, %dma_wait3A_233, %dma_wait3A_234] : memref<2x400x128xf32, #tpu.memory_space<vmem>> -> memref<1x400x128xf32, #tpu.memory_space<vmem>>
      %dma_wait3A_236 = tpu.memref_squeeze %dma_wait3A_235 : memref<1x400x128xf32, #tpu.memory_space<vmem>> -> memref<400x128xf32, #tpu.memory_space<vmem>>
      %dma_wait3A_237 = arith.constant 0 : i32
      %dma_wait3A_238 = tpu.memref_slice %arg2[%mul3A_223, %dma_wait3A_237] : memref<100000x128xf32, #tpu.memory_space<hbm>> -> memref<400x128xf32, #tpu.memory_space<hbm>>
      tpu.wait_dma2 semaphore(%dma_wait3A_232 : memref<!tpu.dma_semaphore, #tpu.memory_space<semaphore_mem>>) src(%dma_wait3A_238 : memref<400x128xf32, #tpu.memory_space<hbm>>) dst(%dma_wait3A_236 : memref<400x128xf32, #tpu.memory_space<vmem>>)
      %add3A_239 = arith.constant 64 : i32
      %add3A_240 = arith.addi %add3A, %add3A_239 : i32
      %mul3A_241 = arith.constant 400 : i32
      %mul3A_242 = arith.muli %add3A_240, %mul3A_241 : i32
      %dma_start3A = arith.constant 0 : i32
      %dma_start3A_243 = arith.constant 0 : i32
      %dma_start3A_244 = arith.constant 0 : i32
      %dma_start3A_245 = arith.constant 0 : i32
      %dma_start3A_246 = tpu.memref_slice %arg4[%dma_start3A, %dma_start3A_244, %dma_start3A_245] : memref<2x400x128xf32, #tpu.memory_space<vmem>> -> memref<1x400x128xf32, #tpu.memory_space<vmem>>
      %dma_start3A_247 = tpu.memref_squeeze %dma_start3A_246 : memref<1x400x128xf32, #tpu.memory_space<vmem>> -> memref<400x128xf32, #tpu.memory_space<vmem>>
      %dma_start3A_248 = arith.constant 0 : i32
      %dma_start3A_249 = tpu.memref_slice %arg3[%mul3A_242, %dma_start3A_248] : memref<100000x128xf32, #tpu.memory_space<hbm>> -> memref<400x128xf32, #tpu.memory_space<hbm>>
      %dma_start3A_250 = tpu.memref_slice %arg6[%dma_start3A_243] : memref<2x!tpu.dma_semaphore, #tpu.memory_space<semaphore_mem>> -> memref<1x!tpu.dma_semaphore, #tpu.memory_space<semaphore_mem>>
      %dma_start3A_251 = tpu.memref_squeeze %dma_start3A_250 : memref<1x!tpu.dma_semaphore, #tpu.memory_space<semaphore_mem>> -> memref<!tpu.dma_semaphore, #tpu.memory_space<semaphore_mem>>
      %dma_start3A_252 = arith.constant 0 : i32
      %dma_start3A_253 = tpu.memref_slice %arg3[%mul3A_242, %dma_start3A_252] : memref<100000x128xf32, #tpu.memory_space<hbm>> -> memref<400x128xf32, #tpu.memory_space<hbm>>
      %dma_start3A_254 = arith.constant 0 : i32
      %dma_start3A_255 = arith.constant 0 : i32
      %dma_start3A_256 = tpu.memref_slice %arg4[%dma_start3A, %dma_start3A_254, %dma_start3A_255] : memref<2x400x128xf32, #tpu.memory_space<vmem>> -> memref<1x400x128xf32, #tpu.memory_space<vmem>>
      %dma_start3A_257 = tpu.memref_squeeze %dma_start3A_256 : memref<1x400x128xf32, #tpu.memory_space<vmem>> -> memref<400x128xf32, #tpu.memory_space<vmem>>
      tpu.enqueue_dma source(%dma_start3A_257 : memref<400x128xf32, #tpu.memory_space<vmem>>) target(%dma_start3A_253 : memref<400x128xf32, #tpu.memory_space<hbm>>) target_semaphore(%dma_start3A_251 : memref<!tpu.dma_semaphore, #tpu.memory_space<semaphore_mem>>)
    } else {
    }
    %add3A_47 = arith.constant 128 : i32
    %add3A_48 = arith.addi %add3A, %add3A_47 : i32
    %lt3A_49 = arith.constant 250 : i32
    %lt3A_50 = arith.cmpi slt, %add3A_48, %lt3A_49 : i32
    %convert_element_type3A_51 = arith.extui %lt3A_50 : i1 to i32
    %cond3A_52 = arith.constant 0 : i32
    %cond3A_53 = arith.cmpi ne, %convert_element_type3A_51, %cond3A_52 : i32
    scf.if %cond3A_53 {
      %add3A_220 = arith.constant 64 : i32
      %add3A_221 = arith.addi %add3A, %add3A_220 : i32
      %mul3A_222 = arith.constant 400 : i32
      %mul3A_223 = arith.muli %add3A_221, %mul3A_222 : i32
      %dma_wait3A = arith.constant 0 : i32
      %dma_wait3A_224 = arith.constant 0 : i32
      %dma_wait3A_225 = arith.constant 0 : i32
      %dma_wait3A_226 = arith.constant 0 : i32
      %dma_wait3A_227 = tpu.memref_slice %arg4[%dma_wait3A, %dma_wait3A_225, %dma_wait3A_226] : memref<2x400x128xf32, #tpu.memory_space<vmem>> -> memref<1x400x128xf32, #tpu.memory_space<vmem>>
      %dma_wait3A_228 = tpu.memref_squeeze %dma_wait3A_227 : memref<1x400x128xf32, #tpu.memory_space<vmem>> -> memref<400x128xf32, #tpu.memory_space<vmem>>
      %dma_wait3A_229 = arith.constant 0 : i32
      %dma_wait3A_230 = tpu.memref_slice %arg3[%mul3A_223, %dma_wait3A_229] : memref<100000x128xf32, #tpu.memory_space<hbm>> -> memref<400x128xf32, #tpu.memory_space<hbm>>
      %dma_wait3A_231 = tpu.memref_slice %arg6[%dma_wait3A_224] : memref<2x!tpu.dma_semaphore, #tpu.memory_space<semaphore_mem>> -> memref<1x!tpu.dma_semaphore, #tpu.memory_space<semaphore_mem>>
      %dma_wait3A_232 = tpu.memref_squeeze %dma_wait3A_231 : memref<1x!tpu.dma_semaphore, #tpu.memory_space<semaphore_mem>> -> memref<!tpu.dma_semaphore, #tpu.memory_space<semaphore_mem>>
      %dma_wait3A_233 = arith.constant 0 : i32
      %dma_wait3A_234 = tpu.memref_slice %arg3[%mul3A_223, %dma_wait3A_233] : memref<100000x128xf32, #tpu.memory_space<hbm>> -> memref<400x128xf32, #tpu.memory_space<hbm>>
      %dma_wait3A_235 = arith.constant 0 : i32
      %dma_wait3A_236 = arith.constant 0 : i32
      %dma_wait3A_237 = tpu.memref_slice %arg4[%dma_wait3A, %dma_wait3A_235, %dma_wait3A_236] : memref<2x400x128xf32, #tpu.memory_space<vmem>> -> memref<1x400x128xf32, #tpu.memory_space<vmem>>
      %dma_wait3A_238 = tpu.memref_squeeze %dma_wait3A_237 : memref<1x400x128xf32, #tpu.memory_space<vmem>> -> memref<400x128xf32, #tpu.memory_space<vmem>>
      tpu.wait_dma2 semaphore(%dma_wait3A_232 : memref<!tpu.dma_semaphore, #tpu.memory_space<semaphore_mem>>) src(%dma_wait3A_238 : memref<400x128xf32, #tpu.memory_space<vmem>>) dst(%dma_wait3A_234 : memref<400x128xf32, #tpu.memory_space<hbm>>)
      %add3A_239 = arith.constant 128 : i32
      %add3A_240 = arith.addi %add3A, %add3A_239 : i32
      %mul3A_241 = arith.constant 400 : i32
      %mul3A_242 = arith.muli %add3A_240, %mul3A_241 : i32
      %dma_start3A = arith.constant 0 : i32
      %dma_start3A_243 = arith.constant 0 : i32
      %dma_start3A_244 = arith.constant 0 : i32
      %dma_start3A_245 = arith.constant 0 : i32
      %dma_start3A_246 = tpu.memref_slice %arg4[%dma_start3A, %dma_start3A_244, %dma_start3A_245] : memref<2x400x128xf32, #tpu.memory_space<vmem>> -> memref<1x400x128xf32, #tpu.memory_space<vmem>>
      %dma_start3A_247 = tpu.memref_squeeze %dma_start3A_246 : memref<1x400x128xf32, #tpu.memory_space<vmem>> -> memref<400x128xf32, #tpu.memory_space<vmem>>
      %dma_start3A_248 = arith.constant 0 : i32
      %dma_start3A_249 = tpu.memref_slice %arg2[%mul3A_242, %dma_start3A_248] : memref<100000x128xf32, #tpu.memory_space<hbm>> -> memref<400x128xf32, #tpu.memory_space<hbm>>
      %dma_start3A_250 = tpu.memref_slice %arg5[%dma_start3A_243] : memref<2x!tpu.dma_semaphore, #tpu.memory_space<semaphore_mem>> -> memref<1x!tpu.dma_semaphore, #tpu.memory_space<semaphore_mem>>
      %dma_start3A_251 = tpu.memref_squeeze %dma_start3A_250 : memref<1x!tpu.dma_semaphore, #tpu.memory_space<semaphore_mem>> -> memref<!tpu.dma_semaphore, #tpu.memory_space<semaphore_mem>>
      %dma_start3A_252 = arith.constant 0 : i32
      %dma_start3A_253 = arith.constant 0 : i32
      %dma_start3A_254 = tpu.memref_slice %arg4[%dma_start3A, %dma_start3A_252, %dma_start3A_253] : memref<2x400x128xf32, #tpu.memory_space<vmem>> -> memref<1x400x128xf32, #tpu.memory_space<vmem>>
      %dma_start3A_255 = tpu.memref_squeeze %dma_start3A_254 : memref<1x400x128xf32, #tpu.memory_space<vmem>> -> memref<400x128xf32, #tpu.memory_space<vmem>>
      %dma_start3A_256 = arith.constant 0 : i32
      %dma_start3A_257 = tpu.memref_slice %arg2[%mul3A_242, %dma_start3A_256] : memref<100000x128xf32, #tpu.memory_space<hbm>> -> memref<400x128xf32, #tpu.memory_space<hbm>>
      tpu.enqueue_dma source(%dma_start3A_257 : memref<400x128xf32, #tpu.memory_space<hbm>>) target(%dma_start3A_255 : memref<400x128xf32, #tpu.memory_space<vmem>>) target_semaphore(%dma_start3A_251 : memref<!tpu.dma_semaphore, #tpu.memory_space<semaphore_mem>>)
    } else {
    }
    %add3A_54 = arith.constant 96 : i32
    %add3A_55 = arith.addi %add3A, %add3A_54 : i32
    %lt3A_56 = arith.constant 250 : i32
    %lt3A_57 = arith.cmpi slt, %add3A_55, %lt3A_56 : i32
    %convert_element_type3A_58 = arith.extui %lt3A_57 : i1 to i32
    %cond3A_59 = arith.constant 0 : i32
    %cond3A_60 = arith.cmpi ne, %convert_element_type3A_58, %cond3A_59 : i32
    scf.if %cond3A_60 {
      %add3A_220 = arith.constant 96 : i32
      %add3A_221 = arith.addi %add3A, %add3A_220 : i32
      %mul3A_222 = arith.constant 400 : i32
      %mul3A_223 = arith.muli %add3A_221, %mul3A_222 : i32
      %dma_wait3A = arith.constant 1 : i32
      %dma_wait3A_224 = arith.constant 1 : i32
      %dma_wait3A_225 = arith.constant 0 : i32
      %dma_wait3A_226 = arith.constant 0 : i32
      %dma_wait3A_227 = tpu.memref_slice %arg4[%dma_wait3A, %dma_wait3A_225, %dma_wait3A_226] : memref<2x400x128xf32, #tpu.memory_space<vmem>> -> memref<1x400x128xf32, #tpu.memory_space<vmem>>
      %dma_wait3A_228 = tpu.memref_squeeze %dma_wait3A_227 : memref<1x400x128xf32, #tpu.memory_space<vmem>> -> memref<400x128xf32, #tpu.memory_space<vmem>>
      %dma_wait3A_229 = arith.constant 0 : i32
      %dma_wait3A_230 = tpu.memref_slice %arg2[%mul3A_223, %dma_wait3A_229] : memref<100000x128xf32, #tpu.memory_space<hbm>> -> memref<400x128xf32, #tpu.memory_space<hbm>>
      %dma_wait3A_231 = tpu.memref_slice %arg5[%dma_wait3A_224] : memref<2x!tpu.dma_semaphore, #tpu.memory_space<semaphore_mem>> -> memref<1x!tpu.dma_semaphore, #tpu.memory_space<semaphore_mem>>
      %dma_wait3A_232 = tpu.memref_squeeze %dma_wait3A_231 : memref<1x!tpu.dma_semaphore, #tpu.memory_space<semaphore_mem>> -> memref<!tpu.dma_semaphore, #tpu.memory_space<semaphore_mem>>
      %dma_wait3A_233 = arith.constant 0 : i32
      %dma_wait3A_234 = arith.constant 0 : i32
      %dma_wait3A_235 = tpu.memref_slice %arg4[%dma_wait3A, %dma_wait3A_233, %dma_wait3A_234] : memref<2x400x128xf32, #tpu.memory_space<vmem>> -> memref<1x400x128xf32, #tpu.memory_space<vmem>>
      %dma_wait3A_236 = tpu.memref_squeeze %dma_wait3A_235 : memref<1x400x128xf32, #tpu.memory_space<vmem>> -> memref<400x128xf32, #tpu.memory_space<vmem>>
      %dma_wait3A_237 = arith.constant 0 : i32
      %dma_wait3A_238 = tpu.memref_slice %arg2[%mul3A_223, %dma_wait3A_237] : memref<100000x128xf32, #tpu.memory_space<hbm>> -> memref<400x128xf32, #tpu.memory_space<hbm>>
      tpu.wait_dma2 semaphore(%dma_wait3A_232 : memref<!tpu.dma_semaphore, #tpu.memory_space<semaphore_mem>>) src(%dma_wait3A_238 : memref<400x128xf32, #tpu.memory_space<hbm>>) dst(%dma_wait3A_236 : memref<400x128xf32, #tpu.memory_space<vmem>>)
      %add3A_239 = arith.constant 96 : i32
      %add3A_240 = arith.addi %add3A, %add3A_239 : i32
      %mul3A_241 = arith.constant 400 : i32
      %mul3A_242 = arith.muli %add3A_240, %mul3A_241 : i32
      %dma_start3A = arith.constant 1 : i32
      %dma_start3A_243 = arith.constant 1 : i32
      %dma_start3A_244 = arith.constant 0 : i32
      %dma_start3A_245 = arith.constant 0 : i32
      %dma_start3A_246 = tpu.memref_slice %arg4[%dma_start3A, %dma_start3A_244, %dma_start3A_245] : memref<2x400x128xf32, #tpu.memory_space<vmem>> -> memref<1x400x128xf32, #tpu.memory_space<vmem>>
      %dma_start3A_247 = tpu.memref_squeeze %dma_start3A_246 : memref<1x400x128xf32, #tpu.memory_space<vmem>> -> memref<400x128xf32, #tpu.memory_space<vmem>>
      %dma_start3A_248 = arith.constant 0 : i32
      %dma_start3A_249 = tpu.memref_slice %arg3[%mul3A_242, %dma_start3A_248] : memref<100000x128xf32, #tpu.memory_space<hbm>> -> memref<400x128xf32, #tpu.memory_space<hbm>>
      %dma_start3A_250 = tpu.memref_slice %arg6[%dma_start3A_243] : memref<2x!tpu.dma_semaphore, #tpu.memory_space<semaphore_mem>> -> memref<1x!tpu.dma_semaphore, #tpu.memory_space<semaphore_mem>>
      %dma_start3A_251 = tpu.memref_squeeze %dma_start3A_250 : memref<1x!tpu.dma_semaphore, #tpu.memory_space<semaphore_mem>> -> memref<!tpu.dma_semaphore, #tpu.memory_space<semaphore_mem>>
      %dma_start3A_252 = arith.constant 0 : i32
      %dma_start3A_253 = tpu.memref_slice %arg3[%mul3A_242, %dma_start3A_252] : memref<100000x128xf32, #tpu.memory_space<hbm>> -> memref<400x128xf32, #tpu.memory_space<hbm>>
      %dma_start3A_254 = arith.constant 0 : i32
      %dma_start3A_255 = arith.constant 0 : i32
      %dma_start3A_256 = tpu.memref_slice %arg4[%dma_start3A, %dma_start3A_254, %dma_start3A_255] : memref<2x400x128xf32, #tpu.memory_space<vmem>> -> memref<1x400x128xf32, #tpu.memory_space<vmem>>
      %dma_start3A_257 = tpu.memref_squeeze %dma_start3A_256 : memref<1x400x128xf32, #tpu.memory_space<vmem>> -> memref<400x128xf32, #tpu.memory_space<vmem>>
      tpu.enqueue_dma source(%dma_start3A_257 : memref<400x128xf32, #tpu.memory_space<vmem>>) target(%dma_start3A_253 : memref<400x128xf32, #tpu.memory_space<hbm>>) target_semaphore(%dma_start3A_251 : memref<!tpu.dma_semaphore, #tpu.memory_space<semaphore_mem>>)
    } else {
    }
    %add3A_61 = arith.constant 160 : i32
    %add3A_62 = arith.addi %add3A, %add3A_61 : i32
    %lt3A_63 = arith.constant 250 : i32
    %lt3A_64 = arith.cmpi slt, %add3A_62, %lt3A_63 : i32
    %convert_element_type3A_65 = arith.extui %lt3A_64 : i1 to i32
    %cond3A_66 = arith.constant 0 : i32
    %cond3A_67 = arith.cmpi ne, %convert_element_type3A_65, %cond3A_66 : i32
    scf.if %cond3A_67 {
      %add3A_220 = arith.constant 96 : i32
      %add3A_221 = arith.addi %add3A, %add3A_220 : i32
      %mul3A_222 = arith.constant 400 : i32
      %mul3A_223 = arith.muli %add3A_221, %mul3A_222 : i32
      %dma_wait3A = arith.constant 1 : i32
      %dma_wait3A_224 = arith.constant 1 : i32
      %dma_wait3A_225 = arith.constant 0 : i32
      %dma_wait3A_226 = arith.constant 0 : i32
      %dma_wait3A_227 = tpu.memref_slice %arg4[%dma_wait3A, %dma_wait3A_225, %dma_wait3A_226] : memref<2x400x128xf32, #tpu.memory_space<vmem>> -> memref<1x400x128xf32, #tpu.memory_space<vmem>>
      %dma_wait3A_228 = tpu.memref_squeeze %dma_wait3A_227 : memref<1x400x128xf32, #tpu.memory_space<vmem>> -> memref<400x128xf32, #tpu.memory_space<vmem>>
      %dma_wait3A_229 = arith.constant 0 : i32
      %dma_wait3A_230 = tpu.memref_slice %arg3[%mul3A_223, %dma_wait3A_229] : memref<100000x128xf32, #tpu.memory_space<hbm>> -> memref<400x128xf32, #tpu.memory_space<hbm>>
      %dma_wait3A_231 = tpu.memref_slice %arg6[%dma_wait3A_224] : memref<2x!tpu.dma_semaphore, #tpu.memory_space<semaphore_mem>> -> memref<1x!tpu.dma_semaphore, #tpu.memory_space<semaphore_mem>>
      %dma_wait3A_232 = tpu.memref_squeeze %dma_wait3A_231 : memref<1x!tpu.dma_semaphore, #tpu.memory_space<semaphore_mem>> -> memref<!tpu.dma_semaphore, #tpu.memory_space<semaphore_mem>>
      %dma_wait3A_233 = arith.constant 0 : i32
      %dma_wait3A_234 = tpu.memref_slice %arg3[%mul3A_223, %dma_wait3A_233] : memref<100000x128xf32, #tpu.memory_space<hbm>> -> memref<400x128xf32, #tpu.memory_space<hbm>>
      %dma_wait3A_235 = arith.constant 0 : i32
      %dma_wait3A_236 = arith.constant 0 : i32
      %dma_wait3A_237 = tpu.memref_slice %arg4[%dma_wait3A, %dma_wait3A_235, %dma_wait3A_236] : memref<2x400x128xf32, #tpu.memory_space<vmem>> -> memref<1x400x128xf32, #tpu.memory_space<vmem>>
      %dma_wait3A_238 = tpu.memref_squeeze %dma_wait3A_237 : memref<1x400x128xf32, #tpu.memory_space<vmem>> -> memref<400x128xf32, #tpu.memory_space<vmem>>
      tpu.wait_dma2 semaphore(%dma_wait3A_232 : memref<!tpu.dma_semaphore, #tpu.memory_space<semaphore_mem>>) src(%dma_wait3A_238 : memref<400x128xf32, #tpu.memory_space<vmem>>) dst(%dma_wait3A_234 : memref<400x128xf32, #tpu.memory_space<hbm>>)
      %add3A_239 = arith.constant 160 : i32
      %add3A_240 = arith.addi %add3A, %add3A_239 : i32
      %mul3A_241 = arith.constant 400 : i32
      %mul3A_242 = arith.muli %add3A_240, %mul3A_241 : i32
      %dma_start3A = arith.constant 1 : i32
      %dma_start3A_243 = arith.constant 1 : i32
      %dma_start3A_244 = arith.constant 0 : i32
      %dma_start3A_245 = arith.constant 0 : i32
      %dma_start3A_246 = tpu.memref_slice %arg4[%dma_start3A, %dma_start3A_244, %dma_start3A_245] : memref<2x400x128xf32, #tpu.memory_space<vmem>> -> memref<1x400x128xf32, #tpu.memory_space<vmem>>
      %dma_start3A_247 = tpu.memref_squeeze %dma_start3A_246 : memref<1x400x128xf32, #tpu.memory_space<vmem>> -> memref<400x128xf32, #tpu.memory_space<vmem>>
      %dma_start3A_248 = arith.constant 0 : i32
      %dma_start3A_249 = tpu.memref_slice %arg2[%mul3A_242, %dma_start3A_248] : memref<100000x128xf32, #tpu.memory_space<hbm>> -> memref<400x128xf32, #tpu.memory_space<hbm>>
      %dma_start3A_250 = tpu.memref_slice %arg5[%dma_start3A_243] : memref<2x!tpu.dma_semaphore, #tpu.memory_space<semaphore_mem>> -> memref<1x!tpu.dma_semaphore, #tpu.memory_space<semaphore_mem>>
      %dma_start3A_251 = tpu.memref_squeeze %dma_start3A_250 : memref<1x!tpu.dma_semaphore, #tpu.memory_space<semaphore_mem>> -> memref<!tpu.dma_semaphore, #tpu.memory_space<semaphore_mem>>
      %dma_start3A_252 = arith.constant 0 : i32
      %dma_start3A_253 = arith.constant 0 : i32
      %dma_start3A_254 = tpu.memref_slice %arg4[%dma_start3A, %dma_start3A_252, %dma_start3A_253] : memref<2x400x128xf32, #tpu.memory_space<vmem>> -> memref<1x400x128xf32, #tpu.memory_space<vmem>>
      %dma_start3A_255 = tpu.memref_squeeze %dma_start3A_254 : memref<1x400x128xf32, #tpu.memory_space<vmem>> -> memref<400x128xf32, #tpu.memory_space<vmem>>
      %dma_start3A_256 = arith.constant 0 : i32
      %dma_start3A_257 = tpu.memref_slice %arg2[%mul3A_242, %dma_start3A_256] : memref<100000x128xf32, #tpu.memory_space<hbm>> -> memref<400x128xf32, #tpu.memory_space<hbm>>
      tpu.enqueue_dma source(%dma_start3A_257 : memref<400x128xf32, #tpu.memory_space<hbm>>) target(%dma_start3A_255 : memref<400x128xf32, #tpu.memory_space<vmem>>) target_semaphore(%dma_start3A_251 : memref<!tpu.dma_semaphore, #tpu.memory_space<semaphore_mem>>)
    } else {
    }
    %add3A_68 = arith.constant 128 : i32
    %add3A_69 = arith.addi %add3A, %add3A_68 : i32
    %lt3A_70 = arith.constant 250 : i32
    %lt3A_71 = arith.cmpi slt, %add3A_69, %lt3A_70 : i32
    %convert_element_type3A_72 = arith.extui %lt3A_71 : i1 to i32
    %cond3A_73 = arith.constant 0 : i32
    %cond3A_74 = arith.cmpi ne, %convert_element_type3A_72, %cond3A_73 : i32
    scf.if %cond3A_74 {
      %add3A_220 = arith.constant 128 : i32
      %add3A_221 = arith.addi %add3A, %add3A_220 : i32
      %mul3A_222 = arith.constant 400 : i32
      %mul3A_223 = arith.muli %add3A_221, %mul3A_222 : i32
      %dma_wait3A = arith.constant 0 : i32
      %dma_wait3A_224 = arith.constant 0 : i32
      %dma_wait3A_225 = arith.constant 0 : i32
      %dma_wait3A_226 = arith.constant 0 : i32
      %dma_wait3A_227 = tpu.memref_slice %arg4[%dma_wait3A, %dma_wait3A_225, %dma_wait3A_226] : memref<2x400x128xf32, #tpu.memory_space<vmem>> -> memref<1x400x128xf32, #tpu.memory_space<vmem>>
      %dma_wait3A_228 = tpu.memref_squeeze %dma_wait3A_227 : memref<1x400x128xf32, #tpu.memory_space<vmem>> -> memref<400x128xf32, #tpu.memory_space<vmem>>
      %dma_wait3A_229 = arith.constant 0 : i32
      %dma_wait3A_230 = tpu.memref_slice %arg2[%mul3A_223, %dma_wait3A_229] : memref<100000x128xf32, #tpu.memory_space<hbm>> -> memref<400x128xf32, #tpu.memory_space<hbm>>
      %dma_wait3A_231 = tpu.memref_slice %arg5[%dma_wait3A_224] : memref<2x!tpu.dma_semaphore, #tpu.memory_space<semaphore_mem>> -> memref<1x!tpu.dma_semaphore, #tpu.memory_space<semaphore_mem>>
      %dma_wait3A_232 = tpu.memref_squeeze %dma_wait3A_231 : memref<1x!tpu.dma_semaphore, #tpu.memory_space<semaphore_mem>> -> memref<!tpu.dma_semaphore, #tpu.memory_space<semaphore_mem>>
      %dma_wait3A_233 = arith.constant 0 : i32
      %dma_wait3A_234 = arith.constant 0 : i32
      %dma_wait3A_235 = tpu.memref_slice %arg4[%dma_wait3A, %dma_wait3A_233, %dma_wait3A_234] : memref<2x400x128xf32, #tpu.memory_space<vmem>> -> memref<1x400x128xf32, #tpu.memory_space<vmem>>
      %dma_wait3A_236 = tpu.memref_squeeze %dma_wait3A_235 : memref<1x400x128xf32, #tpu.memory_space<vmem>> -> memref<400x128xf32, #tpu.memory_space<vmem>>
      %dma_wait3A_237 = arith.constant 0 : i32
      %dma_wait3A_238 = tpu.memref_slice %arg2[%mul3A_223, %dma_wait3A_237] : memref<100000x128xf32, #tpu.memory_space<hbm>> -> memref<400x128xf32, #tpu.memory_space<hbm>>
      tpu.wait_dma2 semaphore(%dma_wait3A_232 : memref<!tpu.dma_semaphore, #tpu.memory_space<semaphore_mem>>) src(%dma_wait3A_238 : memref<400x128xf32, #tpu.memory_space<hbm>>) dst(%dma_wait3A_236 : memref<400x128xf32, #tpu.memory_space<vmem>>)
      %add3A_239 = arith.constant 128 : i32
      %add3A_240 = arith.addi %add3A, %add3A_239 : i32
      %mul3A_241 = arith.constant 400 : i32
      %mul3A_242 = arith.muli %add3A_240, %mul3A_241 : i32
      %dma_start3A = arith.constant 0 : i32
      %dma_start3A_243 = arith.constant 0 : i32
      %dma_start3A_244 = arith.constant 0 : i32
      %dma_start3A_245 = arith.constant 0 : i32
      %dma_start3A_246 = tpu.memref_slice %arg4[%dma_start3A, %dma_start3A_244, %dma_start3A_245] : memref<2x400x128xf32, #tpu.memory_space<vmem>> -> memref<1x400x128xf32, #tpu.memory_space<vmem>>
      %dma_start3A_247 = tpu.memref_squeeze %dma_start3A_246 : memref<1x400x128xf32, #tpu.memory_space<vmem>> -> memref<400x128xf32, #tpu.memory_space<vmem>>
      %dma_start3A_248 = arith.constant 0 : i32
      %dma_start3A_249 = tpu.memref_slice %arg3[%mul3A_242, %dma_start3A_248] : memref<100000x128xf32, #tpu.memory_space<hbm>> -> memref<400x128xf32, #tpu.memory_space<hbm>>
      %dma_start3A_250 = tpu.memref_slice %arg6[%dma_start3A_243] : memref<2x!tpu.dma_semaphore, #tpu.memory_space<semaphore_mem>> -> memref<1x!tpu.dma_semaphore, #tpu.memory_space<semaphore_mem>>
      %dma_start3A_251 = tpu.memref_squeeze %dma_start3A_250 : memref<1x!tpu.dma_semaphore, #tpu.memory_space<semaphore_mem>> -> memref<!tpu.dma_semaphore, #tpu.memory_space<semaphore_mem>>
      %dma_start3A_252 = arith.constant 0 : i32
      %dma_start3A_253 = tpu.memref_slice %arg3[%mul3A_242, %dma_start3A_252] : memref<100000x128xf32, #tpu.memory_space<hbm>> -> memref<400x128xf32, #tpu.memory_space<hbm>>
      %dma_start3A_254 = arith.constant 0 : i32
      %dma_start3A_255 = arith.constant 0 : i32
      %dma_start3A_256 = tpu.memref_slice %arg4[%dma_start3A, %dma_start3A_254, %dma_start3A_255] : memref<2x400x128xf32, #tpu.memory_space<vmem>> -> memref<1x400x128xf32, #tpu.memory_space<vmem>>
      %dma_start3A_257 = tpu.memref_squeeze %dma_start3A_256 : memref<1x400x128xf32, #tpu.memory_space<vmem>> -> memref<400x128xf32, #tpu.memory_space<vmem>>
      tpu.enqueue_dma source(%dma_start3A_257 : memref<400x128xf32, #tpu.memory_space<vmem>>) target(%dma_start3A_253 : memref<400x128xf32, #tpu.memory_space<hbm>>) target_semaphore(%dma_start3A_251 : memref<!tpu.dma_semaphore, #tpu.memory_space<semaphore_mem>>)
    } else {
    }
    %add3A_75 = arith.constant 192 : i32
    %add3A_76 = arith.addi %add3A, %add3A_75 : i32
    %lt3A_77 = arith.constant 250 : i32
    %lt3A_78 = arith.cmpi slt, %add3A_76, %lt3A_77 : i32
    %convert_element_type3A_79 = arith.extui %lt3A_78 : i1 to i32
    %cond3A_80 = arith.constant 0 : i32
    %cond3A_81 = arith.cmpi ne, %convert_element_type3A_79, %cond3A_80 : i32
    scf.if %cond3A_81 {
      %add3A_220 = arith.constant 128 : i32
      %add3A_221 = arith.addi %add3A, %add3A_220 : i32
      %mul3A_222 = arith.constant 400 : i32
      %mul3A_223 = arith.muli %add3A_221, %mul3A_222 : i32
      %dma_wait3A = arith.constant 0 : i32
      %dma_wait3A_224 = arith.constant 0 : i32
      %dma_wait3A_225 = arith.constant 0 : i32
      %dma_wait3A_226 = arith.constant 0 : i32
      %dma_wait3A_227 = tpu.memref_slice %arg4[%dma_wait3A, %dma_wait3A_225, %dma_wait3A_226] : memref<2x400x128xf32, #tpu.memory_space<vmem>> -> memref<1x400x128xf32, #tpu.memory_space<vmem>>
      %dma_wait3A_228 = tpu.memref_squeeze %dma_wait3A_227 : memref<1x400x128xf32, #tpu.memory_space<vmem>> -> memref<400x128xf32, #tpu.memory_space<vmem>>
      %dma_wait3A_229 = arith.constant 0 : i32
      %dma_wait3A_230 = tpu.memref_slice %arg3[%mul3A_223, %dma_wait3A_229] : memref<100000x128xf32, #tpu.memory_space<hbm>> -> memref<400x128xf32, #tpu.memory_space<hbm>>
      %dma_wait3A_231 = tpu.memref_slice %arg6[%dma_wait3A_224] : memref<2x!tpu.dma_semaphore, #tpu.memory_space<semaphore_mem>> -> memref<1x!tpu.dma_semaphore, #tpu.memory_space<semaphore_mem>>
      %dma_wait3A_232 = tpu.memref_squeeze %dma_wait3A_231 : memref<1x!tpu.dma_semaphore, #tpu.memory_space<semaphore_mem>> -> memref<!tpu.dma_semaphore, #tpu.memory_space<semaphore_mem>>
      %dma_wait3A_233 = arith.constant 0 : i32
      %dma_wait3A_234 = tpu.memref_slice %arg3[%mul3A_223, %dma_wait3A_233] : memref<100000x128xf32, #tpu.memory_space<hbm>> -> memref<400x128xf32, #tpu.memory_space<hbm>>
      %dma_wait3A_235 = arith.constant 0 : i32
      %dma_wait3A_236 = arith.constant 0 : i32
      %dma_wait3A_237 = tpu.memref_slice %arg4[%dma_wait3A, %dma_wait3A_235, %dma_wait3A_236] : memref<2x400x128xf32, #tpu.memory_space<vmem>> -> memref<1x400x128xf32, #tpu.memory_space<vmem>>
      %dma_wait3A_238 = tpu.memref_squeeze %dma_wait3A_237 : memref<1x400x128xf32, #tpu.memory_space<vmem>> -> memref<400x128xf32, #tpu.memory_space<vmem>>
      tpu.wait_dma2 semaphore(%dma_wait3A_232 : memref<!tpu.dma_semaphore, #tpu.memory_space<semaphore_mem>>) src(%dma_wait3A_238 : memref<400x128xf32, #tpu.memory_space<vmem>>) dst(%dma_wait3A_234 : memref<400x128xf32, #tpu.memory_space<hbm>>)
      %add3A_239 = arith.constant 192 : i32
      %add3A_240 = arith.addi %add3A, %add3A_239 : i32
      %mul3A_241 = arith.constant 400 : i32
      %mul3A_242 = arith.muli %add3A_240, %mul3A_241 : i32
      %dma_start3A = arith.constant 0 : i32
      %dma_start3A_243 = arith.constant 0 : i32
      %dma_start3A_244 = arith.constant 0 : i32
      %dma_start3A_245 = arith.constant 0 : i32
      %dma_start3A_246 = tpu.memref_slice %arg4[%dma_start3A, %dma_start3A_244, %dma_start3A_245] : memref<2x400x128xf32, #tpu.memory_space<vmem>> -> memref<1x400x128xf32, #tpu.memory_space<vmem>>
      %dma_start3A_247 = tpu.memref_squeeze %dma_start3A_246 : memref<1x400x128xf32, #tpu.memory_space<vmem>> -> memref<400x128xf32, #tpu.memory_space<vmem>>
      %dma_start3A_248 = arith.constant 0 : i32
      %dma_start3A_249 = tpu.memref_slice %arg2[%mul3A_242, %dma_start3A_248] : memref<100000x128xf32, #tpu.memory_space<hbm>> -> memref<400x128xf32, #tpu.memory_space<hbm>>
      %dma_start3A_250 = tpu.memref_slice %arg5[%dma_start3A_243] : memref<2x!tpu.dma_semaphore, #tpu.memory_space<semaphore_mem>> -> memref<1x!tpu.dma_semaphore, #tpu.memory_space<semaphore_mem>>
      %dma_start3A_251 = tpu.memref_squeeze %dma_start3A_250 : memref<1x!tpu.dma_semaphore, #tpu.memory_space<semaphore_mem>> -> memref<!tpu.dma_semaphore, #tpu.memory_space<semaphore_mem>>
      %dma_start3A_252 = arith.constant 0 : i32
      %dma_start3A_253 = arith.constant 0 : i32
      %dma_start3A_254 = tpu.memref_slice %arg4[%dma_start3A, %dma_start3A_252, %dma_start3A_253] : memref<2x400x128xf32, #tpu.memory_space<vmem>> -> memref<1x400x128xf32, #tpu.memory_space<vmem>>
      %dma_start3A_255 = tpu.memref_squeeze %dma_start3A_254 : memref<1x400x128xf32, #tpu.memory_space<vmem>> -> memref<400x128xf32, #tpu.memory_space<vmem>>
      %dma_start3A_256 = arith.constant 0 : i32
      %dma_start3A_257 = tpu.memref_slice %arg2[%mul3A_242, %dma_start3A_256] : memref<100000x128xf32, #tpu.memory_space<hbm>> -> memref<400x128xf32, #tpu.memory_space<hbm>>
      tpu.enqueue_dma source(%dma_start3A_257 : memref<400x128xf32, #tpu.memory_space<hbm>>) target(%dma_start3A_255 : memref<400x128xf32, #tpu.memory_space<vmem>>) target_semaphore(%dma_start3A_251 : memref<!tpu.dma_semaphore, #tpu.memory_space<semaphore_mem>>)
    } else {
    }
    %add3A_82 = arith.constant 160 : i32
    %add3A_83 = arith.addi %add3A, %add3A_82 : i32
    %lt3A_84 = arith.constant 250 : i32
    %lt3A_85 = arith.cmpi slt, %add3A_83, %lt3A_84 : i32
    %convert_element_type3A_86 = arith.extui %lt3A_85 : i1 to i32
    %cond3A_87 = arith.constant 0 : i32
    %cond3A_88 = arith.cmpi ne, %convert_element_type3A_86, %cond3A_87 : i32
    scf.if %cond3A_88 {
      %add3A_220 = arith.constant 160 : i32
      %add3A_221 = arith.addi %add3A, %add3A_220 : i32
      %mul3A_222 = arith.constant 400 : i32
      %mul3A_223 = arith.muli %add3A_221, %mul3A_222 : i32
      %dma_wait3A = arith.constant 1 : i32
      %dma_wait3A_224 = arith.constant 1 : i32
      %dma_wait3A_225 = arith.constant 0 : i32
      %dma_wait3A_226 = arith.constant 0 : i32
      %dma_wait3A_227 = tpu.memref_slice %arg4[%dma_wait3A, %dma_wait3A_225, %dma_wait3A_226] : memref<2x400x128xf32, #tpu.memory_space<vmem>> -> memref<1x400x128xf32, #tpu.memory_space<vmem>>
      %dma_wait3A_228 = tpu.memref_squeeze %dma_wait3A_227 : memref<1x400x128xf32, #tpu.memory_space<vmem>> -> memref<400x128xf32, #tpu.memory_space<vmem>>
      %dma_wait3A_229 = arith.constant 0 : i32
      %dma_wait3A_230 = tpu.memref_slice %arg2[%mul3A_223, %dma_wait3A_229] : memref<100000x128xf32, #tpu.memory_space<hbm>> -> memref<400x128xf32, #tpu.memory_space<hbm>>
      %dma_wait3A_231 = tpu.memref_slice %arg5[%dma_wait3A_224] : memref<2x!tpu.dma_semaphore, #tpu.memory_space<semaphore_mem>> -> memref<1x!tpu.dma_semaphore, #tpu.memory_space<semaphore_mem>>
      %dma_wait3A_232 = tpu.memref_squeeze %dma_wait3A_231 : memref<1x!tpu.dma_semaphore, #tpu.memory_space<semaphore_mem>> -> memref<!tpu.dma_semaphore, #tpu.memory_space<semaphore_mem>>
      %dma_wait3A_233 = arith.constant 0 : i32
      %dma_wait3A_234 = arith.constant 0 : i32
      %dma_wait3A_235 = tpu.memref_slice %arg4[%dma_wait3A, %dma_wait3A_233, %dma_wait3A_234] : memref<2x400x128xf32, #tpu.memory_space<vmem>> -> memref<1x400x128xf32, #tpu.memory_space<vmem>>
      %dma_wait3A_236 = tpu.memref_squeeze %dma_wait3A_235 : memref<1x400x128xf32, #tpu.memory_space<vmem>> -> memref<400x128xf32, #tpu.memory_space<vmem>>
      %dma_wait3A_237 = arith.constant 0 : i32
      %dma_wait3A_238 = tpu.memref_slice %arg2[%mul3A_223, %dma_wait3A_237] : memref<100000x128xf32, #tpu.memory_space<hbm>> -> memref<400x128xf32, #tpu.memory_space<hbm>>
      tpu.wait_dma2 semaphore(%dma_wait3A_232 : memref<!tpu.dma_semaphore, #tpu.memory_space<semaphore_mem>>) src(%dma_wait3A_238 : memref<400x128xf32, #tpu.memory_space<hbm>>) dst(%dma_wait3A_236 : memref<400x128xf32, #tpu.memory_space<vmem>>)
      %add3A_239 = arith.constant 160 : i32
      %add3A_240 = arith.addi %add3A, %add3A_239 : i32
      %mul3A_241 = arith.constant 400 : i32
      %mul3A_242 = arith.muli %add3A_240, %mul3A_241 : i32
      %dma_start3A = arith.constant 1 : i32
      %dma_start3A_243 = arith.constant 1 : i32
      %dma_start3A_244 = arith.constant 0 : i32
      %dma_start3A_245 = arith.constant 0 : i32
      %dma_start3A_246 = tpu.memref_slice %arg4[%dma_start3A, %dma_start3A_244, %dma_start3A_245] : memref<2x400x128xf32, #tpu.memory_space<vmem>> -> memref<1x400x128xf32, #tpu.memory_space<vmem>>
      %dma_start3A_247 = tpu.memref_squeeze %dma_start3A_246 : memref<1x400x128xf32, #tpu.memory_space<vmem>> -> memref<400x128xf32, #tpu.memory_space<vmem>>
      %dma_start3A_248 = arith.constant 0 : i32
      %dma_start3A_249 = tpu.memref_slice %arg3[%mul3A_242, %dma_start3A_248] : memref<100000x128xf32, #tpu.memory_space<hbm>> -> memref<400x128xf32, #tpu.memory_space<hbm>>
      %dma_start3A_250 = tpu.memref_slice %arg6[%dma_start3A_243] : memref<2x!tpu.dma_semaphore, #tpu.memory_space<semaphore_mem>> -> memref<1x!tpu.dma_semaphore, #tpu.memory_space<semaphore_mem>>
      %dma_start3A_251 = tpu.memref_squeeze %dma_start3A_250 : memref<1x!tpu.dma_semaphore, #tpu.memory_space<semaphore_mem>> -> memref<!tpu.dma_semaphore, #tpu.memory_space<semaphore_mem>>
      %dma_start3A_252 = arith.constant 0 : i32
      %dma_start3A_253 = tpu.memref_slice %arg3[%mul3A_242, %dma_start3A_252] : memref<100000x128xf32, #tpu.memory_space<hbm>> -> memref<400x128xf32, #tpu.memory_space<hbm>>
      %dma_start3A_254 = arith.constant 0 : i32
      %dma_start3A_255 = arith.constant 0 : i32
      %dma_start3A_256 = tpu.memref_slice %arg4[%dma_start3A, %dma_start3A_254, %dma_start3A_255] : memref<2x400x128xf32, #tpu.memory_space<vmem>> -> memref<1x400x128xf32, #tpu.memory_space<vmem>>
      %dma_start3A_257 = tpu.memref_squeeze %dma_start3A_256 : memref<1x400x128xf32, #tpu.memory_space<vmem>> -> memref<400x128xf32, #tpu.memory_space<vmem>>
      tpu.enqueue_dma source(%dma_start3A_257 : memref<400x128xf32, #tpu.memory_space<vmem>>) target(%dma_start3A_253 : memref<400x128xf32, #tpu.memory_space<hbm>>) target_semaphore(%dma_start3A_251 : memref<!tpu.dma_semaphore, #tpu.memory_space<semaphore_mem>>)
    } else {
    }
    %add3A_89 = arith.constant 224 : i32
    %add3A_90 = arith.addi %add3A, %add3A_89 : i32
    %lt3A_91 = arith.constant 250 : i32
    %lt3A_92 = arith.cmpi slt, %add3A_90, %lt3A_91 : i32
    %convert_element_type3A_93 = arith.extui %lt3A_92 : i1 to i32
    %cond3A_94 = arith.constant 0 : i32
    %cond3A_95 = arith.cmpi ne, %convert_element_type3A_93, %cond3A_94 : i32
    scf.if %cond3A_95 {
      %add3A_220 = arith.constant 160 : i32
      %add3A_221 = arith.addi %add3A, %add3A_220 : i32
      %mul3A_222 = arith.constant 400 : i32
      %mul3A_223 = arith.muli %add3A_221, %mul3A_222 : i32
      %dma_wait3A = arith.constant 1 : i32
      %dma_wait3A_224 = arith.constant 1 : i32
      %dma_wait3A_225 = arith.constant 0 : i32
      %dma_wait3A_226 = arith.constant 0 : i32
      %dma_wait3A_227 = tpu.memref_slice %arg4[%dma_wait3A, %dma_wait3A_225, %dma_wait3A_226] : memref<2x400x128xf32, #tpu.memory_space<vmem>> -> memref<1x400x128xf32, #tpu.memory_space<vmem>>
      %dma_wait3A_228 = tpu.memref_squeeze %dma_wait3A_227 : memref<1x400x128xf32, #tpu.memory_space<vmem>> -> memref<400x128xf32, #tpu.memory_space<vmem>>
      %dma_wait3A_229 = arith.constant 0 : i32
      %dma_wait3A_230 = tpu.memref_slice %arg3[%mul3A_223, %dma_wait3A_229] : memref<100000x128xf32, #tpu.memory_space<hbm>> -> memref<400x128xf32, #tpu.memory_space<hbm>>
      %dma_wait3A_231 = tpu.memref_slice %arg6[%dma_wait3A_224] : memref<2x!tpu.dma_semaphore, #tpu.memory_space<semaphore_mem>> -> memref<1x!tpu.dma_semaphore, #tpu.memory_space<semaphore_mem>>
      %dma_wait3A_232 = tpu.memref_squeeze %dma_wait3A_231 : memref<1x!tpu.dma_semaphore, #tpu.memory_space<semaphore_mem>> -> memref<!tpu.dma_semaphore, #tpu.memory_space<semaphore_mem>>
      %dma_wait3A_233 = arith.constant 0 : i32
      %dma_wait3A_234 = tpu.memref_slice %arg3[%mul3A_223, %dma_wait3A_233] : memref<100000x128xf32, #tpu.memory_space<hbm>> -> memref<400x128xf32, #tpu.memory_space<hbm>>
      %dma_wait3A_235 = arith.constant 0 : i32
      %dma_wait3A_236 = arith.constant 0 : i32
      %dma_wait3A_237 = tpu.memref_slice %arg4[%dma_wait3A, %dma_wait3A_235, %dma_wait3A_236] : memref<2x400x128xf32, #tpu.memory_space<vmem>> -> memref<1x400x128xf32, #tpu.memory_space<vmem>>
      %dma_wait3A_238 = tpu.memref_squeeze %dma_wait3A_237 : memref<1x400x128xf32, #tpu.memory_space<vmem>> -> memref<400x128xf32, #tpu.memory_space<vmem>>
      tpu.wait_dma2 semaphore(%dma_wait3A_232 : memref<!tpu.dma_semaphore, #tpu.memory_space<semaphore_mem>>) src(%dma_wait3A_238 : memref<400x128xf32, #tpu.memory_space<vmem>>) dst(%dma_wait3A_234 : memref<400x128xf32, #tpu.memory_space<hbm>>)
      %add3A_239 = arith.constant 224 : i32
      %add3A_240 = arith.addi %add3A, %add3A_239 : i32
      %mul3A_241 = arith.constant 400 : i32
      %mul3A_242 = arith.muli %add3A_240, %mul3A_241 : i32
      %dma_start3A = arith.constant 1 : i32
      %dma_start3A_243 = arith.constant 1 : i32
      %dma_start3A_244 = arith.constant 0 : i32
      %dma_start3A_245 = arith.constant 0 : i32
      %dma_start3A_246 = tpu.memref_slice %arg4[%dma_start3A, %dma_start3A_244, %dma_start3A_245] : memref<2x400x128xf32, #tpu.memory_space<vmem>> -> memref<1x400x128xf32, #tpu.memory_space<vmem>>
      %dma_start3A_247 = tpu.memref_squeeze %dma_start3A_246 : memref<1x400x128xf32, #tpu.memory_space<vmem>> -> memref<400x128xf32, #tpu.memory_space<vmem>>
      %dma_start3A_248 = arith.constant 0 : i32
      %dma_start3A_249 = tpu.memref_slice %arg2[%mul3A_242, %dma_start3A_248] : memref<100000x128xf32, #tpu.memory_space<hbm>> -> memref<400x128xf32, #tpu.memory_space<hbm>>
      %dma_start3A_250 = tpu.memref_slice %arg5[%dma_start3A_243] : memref<2x!tpu.dma_semaphore, #tpu.memory_space<semaphore_mem>> -> memref<1x!tpu.dma_semaphore, #tpu.memory_space<semaphore_mem>>
      %dma_start3A_251 = tpu.memref_squeeze %dma_start3A_250 : memref<1x!tpu.dma_semaphore, #tpu.memory_space<semaphore_mem>> -> memref<!tpu.dma_semaphore, #tpu.memory_space<semaphore_mem>>
      %dma_start3A_252 = arith.constant 0 : i32
      %dma_start3A_253 = arith.constant 0 : i32
      %dma_start3A_254 = tpu.memref_slice %arg4[%dma_start3A, %dma_start3A_252, %dma_start3A_253] : memref<2x400x128xf32, #tpu.memory_space<vmem>> -> memref<1x400x128xf32, #tpu.memory_space<vmem>>
      %dma_start3A_255 = tpu.memref_squeeze %dma_start3A_254 : memref<1x400x128xf32, #tpu.memory_space<vmem>> -> memref<400x128xf32, #tpu.memory_space<vmem>>
      %dma_start3A_256 = arith.constant 0 : i32
      %dma_start3A_257 = tpu.memref_slice %arg2[%mul3A_242, %dma_start3A_256] : memref<100000x128xf32, #tpu.memory_space<hbm>> -> memref<400x128xf32, #tpu.memory_space<hbm>>
      tpu.enqueue_dma source(%dma_start3A_257 : memref<400x128xf32, #tpu.memory_space<hbm>>) target(%dma_start3A_255 : memref<400x128xf32, #tpu.memory_space<vmem>>) target_semaphore(%dma_start3A_251 : memref<!tpu.dma_semaphore, #tpu.memory_space<semaphore_mem>>)
    } else {
    }
    %add3A_96 = arith.constant 192 : i32
    %add3A_97 = arith.addi %add3A, %add3A_96 : i32
    %lt3A_98 = arith.constant 250 : i32
    %lt3A_99 = arith.cmpi slt, %add3A_97, %lt3A_98 : i32
    %convert_element_type3A_100 = arith.extui %lt3A_99 : i1 to i32
    %cond3A_101 = arith.constant 0 : i32
    %cond3A_102 = arith.cmpi ne, %convert_element_type3A_100, %cond3A_101 : i32
    scf.if %cond3A_102 {
      %add3A_220 = arith.constant 192 : i32
      %add3A_221 = arith.addi %add3A, %add3A_220 : i32
      %mul3A_222 = arith.constant 400 : i32
      %mul3A_223 = arith.muli %add3A_221, %mul3A_222 : i32
      %dma_wait3A = arith.constant 0 : i32
      %dma_wait3A_224 = arith.constant 0 : i32
      %dma_wait3A_225 = arith.constant 0 : i32
      %dma_wait3A_226 = arith.constant 0 : i32
      %dma_wait3A_227 = tpu.memref_slice %arg4[%dma_wait3A, %dma_wait3A_225, %dma_wait3A_226] : memref<2x400x128xf32, #tpu.memory_space<vmem>> -> memref<1x400x128xf32, #tpu.memory_space<vmem>>
      %dma_wait3A_228 = tpu.memref_squeeze %dma_wait3A_227 : memref<1x400x128xf32, #tpu.memory_space<vmem>> -> memref<400x128xf32, #tpu.memory_space<vmem>>
      %dma_wait3A_229 = arith.constant 0 : i32
      %dma_wait3A_230 = tpu.memref_slice %arg2[%mul3A_223, %dma_wait3A_229] : memref<100000x128xf32, #tpu.memory_space<hbm>> -> memref<400x128xf32, #tpu.memory_space<hbm>>
      %dma_wait3A_231 = tpu.memref_slice %arg5[%dma_wait3A_224] : memref<2x!tpu.dma_semaphore, #tpu.memory_space<semaphore_mem>> -> memref<1x!tpu.dma_semaphore, #tpu.memory_space<semaphore_mem>>
      %dma_wait3A_232 = tpu.memref_squeeze %dma_wait3A_231 : memref<1x!tpu.dma_semaphore, #tpu.memory_space<semaphore_mem>> -> memref<!tpu.dma_semaphore, #tpu.memory_space<semaphore_mem>>
      %dma_wait3A_233 = arith.constant 0 : i32
      %dma_wait3A_234 = arith.constant 0 : i32
      %dma_wait3A_235 = tpu.memref_slice %arg4[%dma_wait3A, %dma_wait3A_233, %dma_wait3A_234] : memref<2x400x128xf32, #tpu.memory_space<vmem>> -> memref<1x400x128xf32, #tpu.memory_space<vmem>>
      %dma_wait3A_236 = tpu.memref_squeeze %dma_wait3A_235 : memref<1x400x128xf32, #tpu.memory_space<vmem>> -> memref<400x128xf32, #tpu.memory_space<vmem>>
      %dma_wait3A_237 = arith.constant 0 : i32
      %dma_wait3A_238 = tpu.memref_slice %arg2[%mul3A_223, %dma_wait3A_237] : memref<100000x128xf32, #tpu.memory_space<hbm>> -> memref<400x128xf32, #tpu.memory_space<hbm>>
      tpu.wait_dma2 semaphore(%dma_wait3A_232 : memref<!tpu.dma_semaphore, #tpu.memory_space<semaphore_mem>>) src(%dma_wait3A_238 : memref<400x128xf32, #tpu.memory_space<hbm>>) dst(%dma_wait3A_236 : memref<400x128xf32, #tpu.memory_space<vmem>>)
      %add3A_239 = arith.constant 192 : i32
      %add3A_240 = arith.addi %add3A, %add3A_239 : i32
      %mul3A_241 = arith.constant 400 : i32
      %mul3A_242 = arith.muli %add3A_240, %mul3A_241 : i32
      %dma_start3A = arith.constant 0 : i32
      %dma_start3A_243 = arith.constant 0 : i32
      %dma_start3A_244 = arith.constant 0 : i32
      %dma_start3A_245 = arith.constant 0 : i32
      %dma_start3A_246 = tpu.memref_slice %arg4[%dma_start3A, %dma_start3A_244, %dma_start3A_245] : memref<2x400x128xf32, #tpu.memory_space<vmem>> -> memref<1x400x128xf32, #tpu.memory_space<vmem>>
      %dma_start3A_247 = tpu.memref_squeeze %dma_start3A_246 : memref<1x400x128xf32, #tpu.memory_space<vmem>> -> memref<400x128xf32, #tpu.memory_space<vmem>>
      %dma_start3A_248 = arith.constant 0 : i32
      %dma_start3A_249 = tpu.memref_slice %arg3[%mul3A_242, %dma_start3A_248] : memref<100000x128xf32, #tpu.memory_space<hbm>> -> memref<400x128xf32, #tpu.memory_space<hbm>>
      %dma_start3A_250 = tpu.memref_slice %arg6[%dma_start3A_243] : memref<2x!tpu.dma_semaphore, #tpu.memory_space<semaphore_mem>> -> memref<1x!tpu.dma_semaphore, #tpu.memory_space<semaphore_mem>>
      %dma_start3A_251 = tpu.memref_squeeze %dma_start3A_250 : memref<1x!tpu.dma_semaphore, #tpu.memory_space<semaphore_mem>> -> memref<!tpu.dma_semaphore, #tpu.memory_space<semaphore_mem>>
      %dma_start3A_252 = arith.constant 0 : i32
      %dma_start3A_253 = tpu.memref_slice %arg3[%mul3A_242, %dma_start3A_252] : memref<100000x128xf32, #tpu.memory_space<hbm>> -> memref<400x128xf32, #tpu.memory_space<hbm>>
      %dma_start3A_254 = arith.constant 0 : i32
      %dma_start3A_255 = arith.constant 0 : i32
      %dma_start3A_256 = tpu.memref_slice %arg4[%dma_start3A, %dma_start3A_254, %dma_start3A_255] : memref<2x400x128xf32, #tpu.memory_space<vmem>> -> memref<1x400x128xf32, #tpu.memory_space<vmem>>
      %dma_start3A_257 = tpu.memref_squeeze %dma_start3A_256 : memref<1x400x128xf32, #tpu.memory_space<vmem>> -> memref<400x128xf32, #tpu.memory_space<vmem>>
      tpu.enqueue_dma source(%dma_start3A_257 : memref<400x128xf32, #tpu.memory_space<vmem>>) target(%dma_start3A_253 : memref<400x128xf32, #tpu.memory_space<hbm>>) target_semaphore(%dma_start3A_251 : memref<!tpu.dma_semaphore, #tpu.memory_space<semaphore_mem>>)
    } else {
    }
    %add3A_103 = arith.constant 224 : i32
    %add3A_104 = arith.addi %add3A, %add3A_103 : i32
    %lt3A_105 = arith.constant 250 : i32
    %lt3A_106 = arith.cmpi slt, %add3A_104, %lt3A_105 : i32
    %convert_element_type3A_107 = arith.extui %lt3A_106 : i1 to i32
    %cond3A_108 = arith.constant 0 : i32
    %cond3A_109 = arith.cmpi ne, %convert_element_type3A_107, %cond3A_108 : i32
    scf.if %cond3A_109 {
      %add3A_220 = arith.constant 224 : i32
      %add3A_221 = arith.addi %add3A, %add3A_220 : i32
      %mul3A_222 = arith.constant 400 : i32
      %mul3A_223 = arith.muli %add3A_221, %mul3A_222 : i32
      %dma_wait3A = arith.constant 1 : i32
      %dma_wait3A_224 = arith.constant 1 : i32
      %dma_wait3A_225 = arith.constant 0 : i32
      %dma_wait3A_226 = arith.constant 0 : i32
      %dma_wait3A_227 = tpu.memref_slice %arg4[%dma_wait3A, %dma_wait3A_225, %dma_wait3A_226] : memref<2x400x128xf32, #tpu.memory_space<vmem>> -> memref<1x400x128xf32, #tpu.memory_space<vmem>>
      %dma_wait3A_228 = tpu.memref_squeeze %dma_wait3A_227 : memref<1x400x128xf32, #tpu.memory_space<vmem>> -> memref<400x128xf32, #tpu.memory_space<vmem>>
      %dma_wait3A_229 = arith.constant 0 : i32
      %dma_wait3A_230 = tpu.memref_slice %arg2[%mul3A_223, %dma_wait3A_229] : memref<100000x128xf32, #tpu.memory_space<hbm>> -> memref<400x128xf32, #tpu.memory_space<hbm>>
      %dma_wait3A_231 = tpu.memref_slice %arg5[%dma_wait3A_224] : memref<2x!tpu.dma_semaphore, #tpu.memory_space<semaphore_mem>> -> memref<1x!tpu.dma_semaphore, #tpu.memory_space<semaphore_mem>>
      %dma_wait3A_232 = tpu.memref_squeeze %dma_wait3A_231 : memref<1x!tpu.dma_semaphore, #tpu.memory_space<semaphore_mem>> -> memref<!tpu.dma_semaphore, #tpu.memory_space<semaphore_mem>>
      %dma_wait3A_233 = arith.constant 0 : i32
      %dma_wait3A_234 = arith.constant 0 : i32
      %dma_wait3A_235 = tpu.memref_slice %arg4[%dma_wait3A, %dma_wait3A_233, %dma_wait3A_234] : memref<2x400x128xf32, #tpu.memory_space<vmem>> -> memref<1x400x128xf32, #tpu.memory_space<vmem>>
      %dma_wait3A_236 = tpu.memref_squeeze %dma_wait3A_235 : memref<1x400x128xf32, #tpu.memory_space<vmem>> -> memref<400x128xf32, #tpu.memory_space<vmem>>
      %dma_wait3A_237 = arith.constant 0 : i32
      %dma_wait3A_238 = tpu.memref_slice %arg2[%mul3A_223, %dma_wait3A_237] : memref<100000x128xf32, #tpu.memory_space<hbm>> -> memref<400x128xf32, #tpu.memory_space<hbm>>
      tpu.wait_dma2 semaphore(%dma_wait3A_232 : memref<!tpu.dma_semaphore, #tpu.memory_space<semaphore_mem>>) src(%dma_wait3A_238 : memref<400x128xf32, #tpu.memory_space<hbm>>) dst(%dma_wait3A_236 : memref<400x128xf32, #tpu.memory_space<vmem>>)
      %add3A_239 = arith.constant 224 : i32
      %add3A_240 = arith.addi %add3A, %add3A_239 : i32
      %mul3A_241 = arith.constant 400 : i32
      %mul3A_242 = arith.muli %add3A_240, %mul3A_241 : i32
      %dma_start3A = arith.constant 1 : i32
      %dma_start3A_243 = arith.constant 1 : i32
      %dma_start3A_244 = arith.constant 0 : i32
      %dma_start3A_245 = arith.constant 0 : i32
      %dma_start3A_246 = tpu.memref_slice %arg4[%dma_start3A, %dma_start3A_244, %dma_start3A_245] : memref<2x400x128xf32, #tpu.memory_space<vmem>> -> memref<1x400x128xf32, #tpu.memory_space<vmem>>
      %dma_start3A_247 = tpu.memref_squeeze %dma_start3A_246 : memref<1x400x128xf32, #tpu.memory_space<vmem>> -> memref<400x128xf32, #tpu.memory_space<vmem>>
      %dma_start3A_248 = arith.constant 0 : i32
      %dma_start3A_249 = tpu.memref_slice %arg3[%mul3A_242, %dma_start3A_248] : memref<100000x128xf32, #tpu.memory_space<hbm>> -> memref<400x128xf32, #tpu.memory_space<hbm>>
      %dma_start3A_250 = tpu.memref_slice %arg6[%dma_start3A_243] : memref<2x!tpu.dma_semaphore, #tpu.memory_space<semaphore_mem>> -> memref<1x!tpu.dma_semaphore, #tpu.memory_space<semaphore_mem>>
      %dma_start3A_251 = tpu.memref_squeeze %dma_start3A_250 : memref<1x!tpu.dma_semaphore, #tpu.memory_space<semaphore_mem>> -> memref<!tpu.dma_semaphore, #tpu.memory_space<semaphore_mem>>
      %dma_start3A_252 = arith.constant 0 : i32
      %dma_start3A_253 = tpu.memref_slice %arg3[%mul3A_242, %dma_start3A_252] : memref<100000x128xf32, #tpu.memory_space<hbm>> -> memref<400x128xf32, #tpu.memory_space<hbm>>
      %dma_start3A_254 = arith.constant 0 : i32
      %dma_start3A_255 = arith.constant 0 : i32
      %dma_start3A_256 = tpu.memref_slice %arg4[%dma_start3A, %dma_start3A_254, %dma_start3A_255] : memref<2x400x128xf32, #tpu.memory_space<vmem>> -> memref<1x400x128xf32, #tpu.memory_space<vmem>>
      %dma_start3A_257 = tpu.memref_squeeze %dma_start3A_256 : memref<1x400x128xf32, #tpu.memory_space<vmem>> -> memref<400x128xf32, #tpu.memory_space<vmem>>
      tpu.enqueue_dma source(%dma_start3A_257 : memref<400x128xf32, #tpu.memory_space<vmem>>) target(%dma_start3A_253 : memref<400x128xf32, #tpu.memory_space<hbm>>) target_semaphore(%dma_start3A_251 : memref<!tpu.dma_semaphore, #tpu.memory_space<semaphore_mem>>)
    } else {
    }
    %add3A_110 = arith.constant 0 : i32
    %add3A_111 = arith.addi %add3A, %add3A_110 : i32
    %lt3A_112 = arith.constant 250 : i32
    %lt3A_113 = arith.cmpi slt, %add3A_111, %lt3A_112 : i32
    %add3A_114 = arith.constant 64 : i32
    %add3A_115 = arith.addi %add3A, %add3A_114 : i32
    %lt3A_116 = arith.constant 250 : i32
    %lt3A_117 = arith.cmpi slt, %add3A_115, %lt3A_116 : i32
    %not3A = arith.constant true
    %not3A_118 = arith.xori %lt3A_117, %not3A : i1
    %and3A = arith.andi %lt3A_113, %not3A_118 : i1
    %convert_element_type3A_119 = arith.extui %and3A : i1 to i32
    %cond3A_120 = arith.constant 0 : i32
    %cond3A_121 = arith.cmpi ne, %convert_element_type3A_119, %cond3A_120 : i32
    scf.if %cond3A_121 {
      %add3A_220 = arith.constant 0 : i32
      %add3A_221 = arith.addi %add3A, %add3A_220 : i32
      %mul3A_222 = arith.constant 400 : i32
      %mul3A_223 = arith.muli %add3A_221, %mul3A_222 : i32
      %dma_wait3A = arith.constant 0 : i32
      %dma_wait3A_224 = arith.constant 0 : i32
      %dma_wait3A_225 = arith.constant 0 : i32
      %dma_wait3A_226 = arith.constant 0 : i32
      %dma_wait3A_227 = tpu.memref_slice %arg4[%dma_wait3A, %dma_wait3A_225, %dma_wait3A_226] : memref<2x400x128xf32, #tpu.memory_space<vmem>> -> memref<1x400x128xf32, #tpu.memory_space<vmem>>
      %dma_wait3A_228 = tpu.memref_squeeze %dma_wait3A_227 : memref<1x400x128xf32, #tpu.memory_space<vmem>> -> memref<400x128xf32, #tpu.memory_space<vmem>>
      %dma_wait3A_229 = arith.constant 0 : i32
      %dma_wait3A_230 = tpu.memref_slice %arg3[%mul3A_223, %dma_wait3A_229] : memref<100000x128xf32, #tpu.memory_space<hbm>> -> memref<400x128xf32, #tpu.memory_space<hbm>>
      %dma_wait3A_231 = tpu.memref_slice %arg6[%dma_wait3A_224] : memref<2x!tpu.dma_semaphore, #tpu.memory_space<semaphore_mem>> -> memref<1x!tpu.dma_semaphore, #tpu.memory_space<semaphore_mem>>
      %dma_wait3A_232 = tpu.memref_squeeze %dma_wait3A_231 : memref<1x!tpu.dma_semaphore, #tpu.memory_space<semaphore_mem>> -> memref<!tpu.dma_semaphore, #tpu.memory_space<semaphore_mem>>
      %dma_wait3A_233 = arith.constant 0 : i32
      %dma_wait3A_234 = tpu.memref_slice %arg3[%mul3A_223, %dma_wait3A_233] : memref<100000x128xf32, #tpu.memory_space<hbm>> -> memref<400x128xf32, #tpu.memory_space<hbm>>
      %dma_wait3A_235 = arith.constant 0 : i32
      %dma_wait3A_236 = arith.constant 0 : i32
      %dma_wait3A_237 = tpu.memref_slice %arg4[%dma_wait3A, %dma_wait3A_235, %dma_wait3A_236] : memref<2x400x128xf32, #tpu.memory_space<vmem>> -> memref<1x400x128xf32, #tpu.memory_space<vmem>>
      %dma_wait3A_238 = tpu.memref_squeeze %dma_wait3A_237 : memref<1x400x128xf32, #tpu.memory_space<vmem>> -> memref<400x128xf32, #tpu.memory_space<vmem>>
      tpu.wait_dma2 semaphore(%dma_wait3A_232 : memref<!tpu.dma_semaphore, #tpu.memory_space<semaphore_mem>>) src(%dma_wait3A_238 : memref<400x128xf32, #tpu.memory_space<vmem>>) dst(%dma_wait3A_234 : memref<400x128xf32, #tpu.memory_space<hbm>>)
    } else {
    }
    %add3A_122 = arith.constant 32 : i32
    %add3A_123 = arith.addi %add3A, %add3A_122 : i32
    %lt3A_124 = arith.constant 250 : i32
    %lt3A_125 = arith.cmpi slt, %add3A_123, %lt3A_124 : i32
    %add3A_126 = arith.constant 96 : i32
    %add3A_127 = arith.addi %add3A, %add3A_126 : i32
    %lt3A_128 = arith.constant 250 : i32
    %lt3A_129 = arith.cmpi slt, %add3A_127, %lt3A_128 : i32
    %not3A_130 = arith.constant true
    %not3A_131 = arith.xori %lt3A_129, %not3A_130 : i1
    %and3A_132 = arith.andi %lt3A_125, %not3A_131 : i1
    %convert_element_type3A_133 = arith.extui %and3A_132 : i1 to i32
    %cond3A_134 = arith.constant 0 : i32
    %cond3A_135 = arith.cmpi ne, %convert_element_type3A_133, %cond3A_134 : i32
    scf.if %cond3A_135 {
      %add3A_220 = arith.constant 32 : i32
      %add3A_221 = arith.addi %add3A, %add3A_220 : i32
      %mul3A_222 = arith.constant 400 : i32
      %mul3A_223 = arith.muli %add3A_221, %mul3A_222 : i32
      %dma_wait3A = arith.constant 1 : i32
      %dma_wait3A_224 = arith.constant 1 : i32
      %dma_wait3A_225 = arith.constant 0 : i32
      %dma_wait3A_226 = arith.constant 0 : i32
      %dma_wait3A_227 = tpu.memref_slice %arg4[%dma_wait3A, %dma_wait3A_225, %dma_wait3A_226] : memref<2x400x128xf32, #tpu.memory_space<vmem>> -> memref<1x400x128xf32, #tpu.memory_space<vmem>>
      %dma_wait3A_228 = tpu.memref_squeeze %dma_wait3A_227 : memref<1x400x128xf32, #tpu.memory_space<vmem>> -> memref<400x128xf32, #tpu.memory_space<vmem>>
      %dma_wait3A_229 = arith.constant 0 : i32
      %dma_wait3A_230 = tpu.memref_slice %arg3[%mul3A_223, %dma_wait3A_229] : memref<100000x128xf32, #tpu.memory_space<hbm>> -> memref<400x128xf32, #tpu.memory_space<hbm>>
      %dma_wait3A_231 = tpu.memref_slice %arg6[%dma_wait3A_224] : memref<2x!tpu.dma_semaphore, #tpu.memory_space<semaphore_mem>> -> memref<1x!tpu.dma_semaphore, #tpu.memory_space<semaphore_mem>>
      %dma_wait3A_232 = tpu.memref_squeeze %dma_wait3A_231 : memref<1x!tpu.dma_semaphore, #tpu.memory_space<semaphore_mem>> -> memref<!tpu.dma_semaphore, #tpu.memory_space<semaphore_mem>>
      %dma_wait3A_233 = arith.constant 0 : i32
      %dma_wait3A_234 = tpu.memref_slice %arg3[%mul3A_223, %dma_wait3A_233] : memref<100000x128xf32, #tpu.memory_space<hbm>> -> memref<400x128xf32, #tpu.memory_space<hbm>>
      %dma_wait3A_235 = arith.constant 0 : i32
      %dma_wait3A_236 = arith.constant 0 : i32
      %dma_wait3A_237 = tpu.memref_slice %arg4[%dma_wait3A, %dma_wait3A_235, %dma_wait3A_236] : memref<2x400x128xf32, #tpu.memory_space<vmem>> -> memref<1x400x128xf32, #tpu.memory_space<vmem>>
      %dma_wait3A_238 = tpu.memref_squeeze %dma_wait3A_237 : memref<1x400x128xf32, #tpu.memory_space<vmem>> -> memref<400x128xf32, #tpu.memory_space<vmem>>
      tpu.wait_dma2 semaphore(%dma_wait3A_232 : memref<!tpu.dma_semaphore, #tpu.memory_space<semaphore_mem>>) src(%dma_wait3A_238 : memref<400x128xf32, #tpu.memory_space<vmem>>) dst(%dma_wait3A_234 : memref<400x128xf32, #tpu.memory_space<hbm>>)
    } else {
    }
    %add3A_136 = arith.constant 64 : i32
    %add3A_137 = arith.addi %add3A, %add3A_136 : i32
    %lt3A_138 = arith.constant 250 : i32
    %lt3A_139 = arith.cmpi slt, %add3A_137, %lt3A_138 : i32
    %add3A_140 = arith.constant 128 : i32
    %add3A_141 = arith.addi %add3A, %add3A_140 : i32
    %lt3A_142 = arith.constant 250 : i32
    %lt3A_143 = arith.cmpi slt, %add3A_141, %lt3A_142 : i32
    %not3A_144 = arith.constant true
    %not3A_145 = arith.xori %lt3A_143, %not3A_144 : i1
    %and3A_146 = arith.andi %lt3A_139, %not3A_145 : i1
    %convert_element_type3A_147 = arith.extui %and3A_146 : i1 to i32
    %cond3A_148 = arith.constant 0 : i32
    %cond3A_149 = arith.cmpi ne, %convert_element_type3A_147, %cond3A_148 : i32
    scf.if %cond3A_149 {
      %add3A_220 = arith.constant 64 : i32
      %add3A_221 = arith.addi %add3A, %add3A_220 : i32
      %mul3A_222 = arith.constant 400 : i32
      %mul3A_223 = arith.muli %add3A_221, %mul3A_222 : i32
      %dma_wait3A = arith.constant 0 : i32
      %dma_wait3A_224 = arith.constant 0 : i32
      %dma_wait3A_225 = arith.constant 0 : i32
      %dma_wait3A_226 = arith.constant 0 : i32
      %dma_wait3A_227 = tpu.memref_slice %arg4[%dma_wait3A, %dma_wait3A_225, %dma_wait3A_226] : memref<2x400x128xf32, #tpu.memory_space<vmem>> -> memref<1x400x128xf32, #tpu.memory_space<vmem>>
      %dma_wait3A_228 = tpu.memref_squeeze %dma_wait3A_227 : memref<1x400x128xf32, #tpu.memory_space<vmem>> -> memref<400x128xf32, #tpu.memory_space<vmem>>
      %dma_wait3A_229 = arith.constant 0 : i32
      %dma_wait3A_230 = tpu.memref_slice %arg3[%mul3A_223, %dma_wait3A_229] : memref<100000x128xf32, #tpu.memory_space<hbm>> -> memref<400x128xf32, #tpu.memory_space<hbm>>
      %dma_wait3A_231 = tpu.memref_slice %arg6[%dma_wait3A_224] : memref<2x!tpu.dma_semaphore, #tpu.memory_space<semaphore_mem>> -> memref<1x!tpu.dma_semaphore, #tpu.memory_space<semaphore_mem>>
      %dma_wait3A_232 = tpu.memref_squeeze %dma_wait3A_231 : memref<1x!tpu.dma_semaphore, #tpu.memory_space<semaphore_mem>> -> memref<!tpu.dma_semaphore, #tpu.memory_space<semaphore_mem>>
      %dma_wait3A_233 = arith.constant 0 : i32
      %dma_wait3A_234 = tpu.memref_slice %arg3[%mul3A_223, %dma_wait3A_233] : memref<100000x128xf32, #tpu.memory_space<hbm>> -> memref<400x128xf32, #tpu.memory_space<hbm>>
      %dma_wait3A_235 = arith.constant 0 : i32
      %dma_wait3A_236 = arith.constant 0 : i32
      %dma_wait3A_237 = tpu.memref_slice %arg4[%dma_wait3A, %dma_wait3A_235, %dma_wait3A_236] : memref<2x400x128xf32, #tpu.memory_space<vmem>> -> memref<1x400x128xf32, #tpu.memory_space<vmem>>
      %dma_wait3A_238 = tpu.memref_squeeze %dma_wait3A_237 : memref<1x400x128xf32, #tpu.memory_space<vmem>> -> memref<400x128xf32, #tpu.memory_space<vmem>>
      tpu.wait_dma2 semaphore(%dma_wait3A_232 : memref<!tpu.dma_semaphore, #tpu.memory_space<semaphore_mem>>) src(%dma_wait3A_238 : memref<400x128xf32, #tpu.memory_space<vmem>>) dst(%dma_wait3A_234 : memref<400x128xf32, #tpu.memory_space<hbm>>)
    } else {
    }
    %add3A_150 = arith.constant 96 : i32
    %add3A_151 = arith.addi %add3A, %add3A_150 : i32
    %lt3A_152 = arith.constant 250 : i32
    %lt3A_153 = arith.cmpi slt, %add3A_151, %lt3A_152 : i32
    %add3A_154 = arith.constant 160 : i32
    %add3A_155 = arith.addi %add3A, %add3A_154 : i32
    %lt3A_156 = arith.constant 250 : i32
    %lt3A_157 = arith.cmpi slt, %add3A_155, %lt3A_156 : i32
    %not3A_158 = arith.constant true
    %not3A_159 = arith.xori %lt3A_157, %not3A_158 : i1
    %and3A_160 = arith.andi %lt3A_153, %not3A_159 : i1
    %convert_element_type3A_161 = arith.extui %and3A_160 : i1 to i32
    %cond3A_162 = arith.constant 0 : i32
    %cond3A_163 = arith.cmpi ne, %convert_element_type3A_161, %cond3A_162 : i32
    scf.if %cond3A_163 {
      %add3A_220 = arith.constant 96 : i32
      %add3A_221 = arith.addi %add3A, %add3A_220 : i32
      %mul3A_222 = arith.constant 400 : i32
      %mul3A_223 = arith.muli %add3A_221, %mul3A_222 : i32
      %dma_wait3A = arith.constant 1 : i32
      %dma_wait3A_224 = arith.constant 1 : i32
      %dma_wait3A_225 = arith.constant 0 : i32
      %dma_wait3A_226 = arith.constant 0 : i32
      %dma_wait3A_227 = tpu.memref_slice %arg4[%dma_wait3A, %dma_wait3A_225, %dma_wait3A_226] : memref<2x400x128xf32, #tpu.memory_space<vmem>> -> memref<1x400x128xf32, #tpu.memory_space<vmem>>
      %dma_wait3A_228 = tpu.memref_squeeze %dma_wait3A_227 : memref<1x400x128xf32, #tpu.memory_space<vmem>> -> memref<400x128xf32, #tpu.memory_space<vmem>>
      %dma_wait3A_229 = arith.constant 0 : i32
      %dma_wait3A_230 = tpu.memref_slice %arg3[%mul3A_223, %dma_wait3A_229] : memref<100000x128xf32, #tpu.memory_space<hbm>> -> memref<400x128xf32, #tpu.memory_space<hbm>>
      %dma_wait3A_231 = tpu.memref_slice %arg6[%dma_wait3A_224] : memref<2x!tpu.dma_semaphore, #tpu.memory_space<semaphore_mem>> -> memref<1x!tpu.dma_semaphore, #tpu.memory_space<semaphore_mem>>
      %dma_wait3A_232 = tpu.memref_squeeze %dma_wait3A_231 : memref<1x!tpu.dma_semaphore, #tpu.memory_space<semaphore_mem>> -> memref<!tpu.dma_semaphore, #tpu.memory_space<semaphore_mem>>
      %dma_wait3A_233 = arith.constant 0 : i32
      %dma_wait3A_234 = tpu.memref_slice %arg3[%mul3A_223, %dma_wait3A_233] : memref<100000x128xf32, #tpu.memory_space<hbm>> -> memref<400x128xf32, #tpu.memory_space<hbm>>
      %dma_wait3A_235 = arith.constant 0 : i32
      %dma_wait3A_236 = arith.constant 0 : i32
      %dma_wait3A_237 = tpu.memref_slice %arg4[%dma_wait3A, %dma_wait3A_235, %dma_wait3A_236] : memref<2x400x128xf32, #tpu.memory_space<vmem>> -> memref<1x400x128xf32, #tpu.memory_space<vmem>>
      %dma_wait3A_238 = tpu.memref_squeeze %dma_wait3A_237 : memref<1x400x128xf32, #tpu.memory_space<vmem>> -> memref<400x128xf32, #tpu.memory_space<vmem>>
      tpu.wait_dma2 semaphore(%dma_wait3A_232 : memref<!tpu.dma_semaphore, #tpu.memory_space<semaphore_mem>>) src(%dma_wait3A_238 : memref<400x128xf32, #tpu.memory_space<vmem>>) dst(%dma_wait3A_234 : memref<400x128xf32, #tpu.memory_space<hbm>>)
    } else {
    }
    %add3A_164 = arith.constant 128 : i32
    %add3A_165 = arith.addi %add3A, %add3A_164 : i32
    %lt3A_166 = arith.constant 250 : i32
    %lt3A_167 = arith.cmpi slt, %add3A_165, %lt3A_166 : i32
    %add3A_168 = arith.constant 192 : i32
    %add3A_169 = arith.addi %add3A, %add3A_168 : i32
    %lt3A_170 = arith.constant 250 : i32
    %lt3A_171 = arith.cmpi slt, %add3A_169, %lt3A_170 : i32
    %not3A_172 = arith.constant true
    %not3A_173 = arith.xori %lt3A_171, %not3A_172 : i1
    %and3A_174 = arith.andi %lt3A_167, %not3A_173 : i1
    %convert_element_type3A_175 = arith.extui %and3A_174 : i1 to i32
    %cond3A_176 = arith.constant 0 : i32
    %cond3A_177 = arith.cmpi ne, %convert_element_type3A_175, %cond3A_176 : i32
    scf.if %cond3A_177 {
      %add3A_220 = arith.constant 128 : i32
      %add3A_221 = arith.addi %add3A, %add3A_220 : i32
      %mul3A_222 = arith.constant 400 : i32
      %mul3A_223 = arith.muli %add3A_221, %mul3A_222 : i32
      %dma_wait3A = arith.constant 0 : i32
      %dma_wait3A_224 = arith.constant 0 : i32
      %dma_wait3A_225 = arith.constant 0 : i32
      %dma_wait3A_226 = arith.constant 0 : i32
      %dma_wait3A_227 = tpu.memref_slice %arg4[%dma_wait3A, %dma_wait3A_225, %dma_wait3A_226] : memref<2x400x128xf32, #tpu.memory_space<vmem>> -> memref<1x400x128xf32, #tpu.memory_space<vmem>>
      %dma_wait3A_228 = tpu.memref_squeeze %dma_wait3A_227 : memref<1x400x128xf32, #tpu.memory_space<vmem>> -> memref<400x128xf32, #tpu.memory_space<vmem>>
      %dma_wait3A_229 = arith.constant 0 : i32
      %dma_wait3A_230 = tpu.memref_slice %arg3[%mul3A_223, %dma_wait3A_229] : memref<100000x128xf32, #tpu.memory_space<hbm>> -> memref<400x128xf32, #tpu.memory_space<hbm>>
      %dma_wait3A_231 = tpu.memref_slice %arg6[%dma_wait3A_224] : memref<2x!tpu.dma_semaphore, #tpu.memory_space<semaphore_mem>> -> memref<1x!tpu.dma_semaphore, #tpu.memory_space<semaphore_mem>>
      %dma_wait3A_232 = tpu.memref_squeeze %dma_wait3A_231 : memref<1x!tpu.dma_semaphore, #tpu.memory_space<semaphore_mem>> -> memref<!tpu.dma_semaphore, #tpu.memory_space<semaphore_mem>>
      %dma_wait3A_233 = arith.constant 0 : i32
      %dma_wait3A_234 = tpu.memref_slice %arg3[%mul3A_223, %dma_wait3A_233] : memref<100000x128xf32, #tpu.memory_space<hbm>> -> memref<400x128xf32, #tpu.memory_space<hbm>>
      %dma_wait3A_235 = arith.constant 0 : i32
      %dma_wait3A_236 = arith.constant 0 : i32
      %dma_wait3A_237 = tpu.memref_slice %arg4[%dma_wait3A, %dma_wait3A_235, %dma_wait3A_236] : memref<2x400x128xf32, #tpu.memory_space<vmem>> -> memref<1x400x128xf32, #tpu.memory_space<vmem>>
      %dma_wait3A_238 = tpu.memref_squeeze %dma_wait3A_237 : memref<1x400x128xf32, #tpu.memory_space<vmem>> -> memref<400x128xf32, #tpu.memory_space<vmem>>
      tpu.wait_dma2 semaphore(%dma_wait3A_232 : memref<!tpu.dma_semaphore, #tpu.memory_space<semaphore_mem>>) src(%dma_wait3A_238 : memref<400x128xf32, #tpu.memory_space<vmem>>) dst(%dma_wait3A_234 : memref<400x128xf32, #tpu.memory_space<hbm>>)
    } else {
    }
    %add3A_178 = arith.constant 160 : i32
    %add3A_179 = arith.addi %add3A, %add3A_178 : i32
    %lt3A_180 = arith.constant 250 : i32
    %lt3A_181 = arith.cmpi slt, %add3A_179, %lt3A_180 : i32
    %add3A_182 = arith.constant 224 : i32
    %add3A_183 = arith.addi %add3A, %add3A_182 : i32
    %lt3A_184 = arith.constant 250 : i32
    %lt3A_185 = arith.cmpi slt, %add3A_183, %lt3A_184 : i32
    %not3A_186 = arith.constant true
    %not3A_187 = arith.xori %lt3A_185, %not3A_186 : i1
    %and3A_188 = arith.andi %lt3A_181, %not3A_187 : i1
    %convert_element_type3A_189 = arith.extui %and3A_188 : i1 to i32
    %cond3A_190 = arith.constant 0 : i32
    %cond3A_191 = arith.cmpi ne, %convert_element_type3A_189, %cond3A_190 : i32
    scf.if %cond3A_191 {
      %add3A_220 = arith.constant 160 : i32
      %add3A_221 = arith.addi %add3A, %add3A_220 : i32
      %mul3A_222 = arith.constant 400 : i32
      %mul3A_223 = arith.muli %add3A_221, %mul3A_222 : i32
      %dma_wait3A = arith.constant 1 : i32
      %dma_wait3A_224 = arith.constant 1 : i32
      %dma_wait3A_225 = arith.constant 0 : i32
      %dma_wait3A_226 = arith.constant 0 : i32
      %dma_wait3A_227 = tpu.memref_slice %arg4[%dma_wait3A, %dma_wait3A_225, %dma_wait3A_226] : memref<2x400x128xf32, #tpu.memory_space<vmem>> -> memref<1x400x128xf32, #tpu.memory_space<vmem>>
      %dma_wait3A_228 = tpu.memref_squeeze %dma_wait3A_227 : memref<1x400x128xf32, #tpu.memory_space<vmem>> -> memref<400x128xf32, #tpu.memory_space<vmem>>
      %dma_wait3A_229 = arith.constant 0 : i32
      %dma_wait3A_230 = tpu.memref_slice %arg3[%mul3A_223, %dma_wait3A_229] : memref<100000x128xf32, #tpu.memory_space<hbm>> -> memref<400x128xf32, #tpu.memory_space<hbm>>
      %dma_wait3A_231 = tpu.memref_slice %arg6[%dma_wait3A_224] : memref<2x!tpu.dma_semaphore, #tpu.memory_space<semaphore_mem>> -> memref<1x!tpu.dma_semaphore, #tpu.memory_space<semaphore_mem>>
      %dma_wait3A_232 = tpu.memref_squeeze %dma_wait3A_231 : memref<1x!tpu.dma_semaphore, #tpu.memory_space<semaphore_mem>> -> memref<!tpu.dma_semaphore, #tpu.memory_space<semaphore_mem>>
      %dma_wait3A_233 = arith.constant 0 : i32
      %dma_wait3A_234 = tpu.memref_slice %arg3[%mul3A_223, %dma_wait3A_233] : memref<100000x128xf32, #tpu.memory_space<hbm>> -> memref<400x128xf32, #tpu.memory_space<hbm>>
      %dma_wait3A_235 = arith.constant 0 : i32
      %dma_wait3A_236 = arith.constant 0 : i32
      %dma_wait3A_237 = tpu.memref_slice %arg4[%dma_wait3A, %dma_wait3A_235, %dma_wait3A_236] : memref<2x400x128xf32, #tpu.memory_space<vmem>> -> memref<1x400x128xf32, #tpu.memory_space<vmem>>
      %dma_wait3A_238 = tpu.memref_squeeze %dma_wait3A_237 : memref<1x400x128xf32, #tpu.memory_space<vmem>> -> memref<400x128xf32, #tpu.memory_space<vmem>>
      tpu.wait_dma2 semaphore(%dma_wait3A_232 : memref<!tpu.dma_semaphore, #tpu.memory_space<semaphore_mem>>) src(%dma_wait3A_238 : memref<400x128xf32, #tpu.memory_space<vmem>>) dst(%dma_wait3A_234 : memref<400x128xf32, #tpu.memory_space<hbm>>)
    } else {
    }
    %add3A_192 = arith.constant 192 : i32
    %add3A_193 = arith.addi %add3A, %add3A_192 : i32
    %lt3A_194 = arith.constant 250 : i32
    %lt3A_195 = arith.cmpi slt, %add3A_193, %lt3A_194 : i32
    %add3A_196 = arith.constant 256 : i32
    %add3A_197 = arith.addi %add3A, %add3A_196 : i32
    %lt3A_198 = arith.constant 250 : i32
    %lt3A_199 = arith.cmpi slt, %add3A_197, %lt3A_198 : i32
    %not3A_200 = arith.constant true
    %not3A_201 = arith.xori %lt3A_199, %not3A_200 : i1
    %and3A_202 = arith.andi %lt3A_195, %not3A_201 : i1
    %convert_element_type3A_203 = arith.extui %and3A_202 : i1 to i32
    %cond3A_204 = arith.constant 0 : i32
    %cond3A_205 = arith.cmpi ne, %convert_element_type3A_203, %cond3A_204 : i32
    scf.if %cond3A_205 {
      %add3A_220 = arith.constant 192 : i32
      %add3A_221 = arith.addi %add3A, %add3A_220 : i32
      %mul3A_222 = arith.constant 400 : i32
      %mul3A_223 = arith.muli %add3A_221, %mul3A_222 : i32
      %dma_wait3A = arith.constant 0 : i32
      %dma_wait3A_224 = arith.constant 0 : i32
      %dma_wait3A_225 = arith.constant 0 : i32
      %dma_wait3A_226 = arith.constant 0 : i32
      %dma_wait3A_227 = tpu.memref_slice %arg4[%dma_wait3A, %dma_wait3A_225, %dma_wait3A_226] : memref<2x400x128xf32, #tpu.memory_space<vmem>> -> memref<1x400x128xf32, #tpu.memory_space<vmem>>
      %dma_wait3A_228 = tpu.memref_squeeze %dma_wait3A_227 : memref<1x400x128xf32, #tpu.memory_space<vmem>> -> memref<400x128xf32, #tpu.memory_space<vmem>>
      %dma_wait3A_229 = arith.constant 0 : i32
      %dma_wait3A_230 = tpu.memref_slice %arg3[%mul3A_223, %dma_wait3A_229] : memref<100000x128xf32, #tpu.memory_space<hbm>> -> memref<400x128xf32, #tpu.memory_space<hbm>>
      %dma_wait3A_231 = tpu.memref_slice %arg6[%dma_wait3A_224] : memref<2x!tpu.dma_semaphore, #tpu.memory_space<semaphore_mem>> -> memref<1x!tpu.dma_semaphore, #tpu.memory_space<semaphore_mem>>
      %dma_wait3A_232 = tpu.memref_squeeze %dma_wait3A_231 : memref<1x!tpu.dma_semaphore, #tpu.memory_space<semaphore_mem>> -> memref<!tpu.dma_semaphore, #tpu.memory_space<semaphore_mem>>
      %dma_wait3A_233 = arith.constant 0 : i32
      %dma_wait3A_234 = tpu.memref_slice %arg3[%mul3A_223, %dma_wait3A_233] : memref<100000x128xf32, #tpu.memory_space<hbm>> -> memref<400x128xf32, #tpu.memory_space<hbm>>
      %dma_wait3A_235 = arith.constant 0 : i32
      %dma_wait3A_236 = arith.constant 0 : i32
      %dma_wait3A_237 = tpu.memref_slice %arg4[%dma_wait3A, %dma_wait3A_235, %dma_wait3A_236] : memref<2x400x128xf32, #tpu.memory_space<vmem>> -> memref<1x400x128xf32, #tpu.memory_space<vmem>>
      %dma_wait3A_238 = tpu.memref_squeeze %dma_wait3A_237 : memref<1x400x128xf32, #tpu.memory_space<vmem>> -> memref<400x128xf32, #tpu.memory_space<vmem>>
      tpu.wait_dma2 semaphore(%dma_wait3A_232 : memref<!tpu.dma_semaphore, #tpu.memory_space<semaphore_mem>>) src(%dma_wait3A_238 : memref<400x128xf32, #tpu.memory_space<vmem>>) dst(%dma_wait3A_234 : memref<400x128xf32, #tpu.memory_space<hbm>>)
    } else {
    }
    %add3A_206 = arith.constant 224 : i32
    %add3A_207 = arith.addi %add3A, %add3A_206 : i32
    %lt3A_208 = arith.constant 250 : i32
    %lt3A_209 = arith.cmpi slt, %add3A_207, %lt3A_208 : i32
    %add3A_210 = arith.constant 288 : i32
    %add3A_211 = arith.addi %add3A, %add3A_210 : i32
    %lt3A_212 = arith.constant 250 : i32
    %lt3A_213 = arith.cmpi slt, %add3A_211, %lt3A_212 : i32
    %not3A_214 = arith.constant true
    %not3A_215 = arith.xori %lt3A_213, %not3A_214 : i1
    %and3A_216 = arith.andi %lt3A_209, %not3A_215 : i1
    %convert_element_type3A_217 = arith.extui %and3A_216 : i1 to i32
    %cond3A_218 = arith.constant 0 : i32
    %cond3A_219 = arith.cmpi ne, %convert_element_type3A_217, %cond3A_218 : i32
    scf.if %cond3A_219 {
      %add3A_220 = arith.constant 224 : i32
      %add3A_221 = arith.addi %add3A, %add3A_220 : i32
      %mul3A_222 = arith.constant 400 : i32
      %mul3A_223 = arith.muli %add3A_221, %mul3A_222 : i32
      %dma_wait3A = arith.constant 1 : i32
      %dma_wait3A_224 = arith.constant 1 : i32
      %dma_wait3A_225 = arith.constant 0 : i32
      %dma_wait3A_226 = arith.constant 0 : i32
      %dma_wait3A_227 = tpu.memref_slice %arg4[%dma_wait3A, %dma_wait3A_225, %dma_wait3A_226] : memref<2x400x128xf32, #tpu.memory_space<vmem>> -> memref<1x400x128xf32, #tpu.memory_space<vmem>>
      %dma_wait3A_228 = tpu.memref_squeeze %dma_wait3A_227 : memref<1x400x128xf32, #tpu.memory_space<vmem>> -> memref<400x128xf32, #tpu.memory_space<vmem>>
      %dma_wait3A_229 = arith.constant 0 : i32
      %dma_wait3A_230 = tpu.memref_slice %arg3[%mul3A_223, %dma_wait3A_229] : memref<100000x128xf32, #tpu.memory_space<hbm>> -> memref<400x128xf32, #tpu.memory_space<hbm>>
      %dma_wait3A_231 = tpu.memref_slice %arg6[%dma_wait3A_224] : memref<2x!tpu.dma_semaphore, #tpu.memory_space<semaphore_mem>> -> memref<1x!tpu.dma_semaphore, #tpu.memory_space<semaphore_mem>>
      %dma_wait3A_232 = tpu.memref_squeeze %dma_wait3A_231 : memref<1x!tpu.dma_semaphore, #tpu.memory_space<semaphore_mem>> -> memref<!tpu.dma_semaphore, #tpu.memory_space<semaphore_mem>>
      %dma_wait3A_233 = arith.constant 0 : i32
      %dma_wait3A_234 = tpu.memref_slice %arg3[%mul3A_223, %dma_wait3A_233] : memref<100000x128xf32, #tpu.memory_space<hbm>> -> memref<400x128xf32, #tpu.memory_space<hbm>>
      %dma_wait3A_235 = arith.constant 0 : i32
      %dma_wait3A_236 = arith.constant 0 : i32
      %dma_wait3A_237 = tpu.memref_slice %arg4[%dma_wait3A, %dma_wait3A_235, %dma_wait3A_236] : memref<2x400x128xf32, #tpu.memory_space<vmem>> -> memref<1x400x128xf32, #tpu.memory_space<vmem>>
      %dma_wait3A_238 = tpu.memref_squeeze %dma_wait3A_237 : memref<1x400x128xf32, #tpu.memory_space<vmem>> -> memref<400x128xf32, #tpu.memory_space<vmem>>
      tpu.wait_dma2 semaphore(%dma_wait3A_232 : memref<!tpu.dma_semaphore, #tpu.memory_space<semaphore_mem>>) src(%dma_wait3A_238 : memref<400x128xf32, #tpu.memory_space<vmem>>) dst(%dma_wait3A_234 : memref<400x128xf32, #tpu.memory_space<hbm>>)
    } else {
    }
    return
  }
}

</mosaic_0001>

<sc_bundles>
// kernel: kernel.3.cloned.1.call-start
scs
__scs_entry_jumppad:
0x0: {  	(pc) =	sbr.rel $0x88, $3  }
0x1: {  	(tag) =	ssettag $0x0;
	lr =	simm.s32 $0x1  }
0x2: {  	[smem:$0x3FA0] =	sst lr;
	_ =	strace $0xD0000000  }
0x3: {  	_ = 	snop  }
0x4: {  	_ = 	snop  }
0x5: {  	_ = 	snop  }
0x6: {  	_ = 	snop  }
0x7: {  	_ = 	snop  }
__scs_overlays_trampoline_lowered:
0x8: {  	[smem:$0x3FAF] =	sst s0  }
0x9: {  	[smem:$0x3FB0] =	sst s1  }
0xa: {  	[smem:$0x3FB1] =	sst s2  }
0xb: {  	[smem:$0x3FB2] =	sst s3  }
0xc: {  	[smem:$0x3FB3] =	sst s4  }
0xd: {  	[smem:$0x3FB4] =	sst s5  }
0xe: {  	[smem:$0x3FB5] =	sst s6  }
0xf: {  	[smem:$0x3FB6] =	sst s7  }
0x10: {  	[smem:$0x3FB7] =	sst s8  }
0x11: {  	[smem:$0x3FB8] =	sst s9;
	s0 =	simm.s32 @!p0 $0x0  }
0x12: {  	s1 =	sld [smem:$0x3F9E];
	s0 =	simm.s32 @p0 $0x1  }
0x13: {  	[smem:$0x3FB9] =	sst s0;
	s0 =	simm.s32 @!p1 $0x0  }
0x14: {  	s2 =	sld [smem:$0x3F9D];
	s0 =	simm.s32 @p1 $0x1  }
0x15: {  	[smem:$0x3FBA] =	sst s0;
	s0 =	simm.s32 @!p2 $0x0  }
0x16: {  	s3 =	sld [smem:$0x3FDB];
	s0 =	simm.s32 @p2 $0x1  }
0x17: {  	s4 =	simm.s32 $0x1BF5;
	[smem:$0x3FBC] =	sst s0  }
0x18: {  	s0 =	sld [smem:$0x3F9F];
	_ =	swait.ge [sflag:s4], $0x0  }
0x19: {  	s7 =	sld [smem:$0x3FA0]  }
0x1a: {  	s8 =	sadd.s32 $0xFFFFE003, lr  }
0x1b: {  	s9 =	sadd.s32 $0xFFFFFEF7, lr;
	s5 =	simm.s32 $0xFFFFFFFF;
	p2 =	slt.u32 s8, $0xFFFFF086  }
0x1c: {  	p1 =	slt.u32 s9, $0xF7A;
	s5 =	simm.s32 @!p2 $0x0  }
0x1d: {  	s5 =	simm.s32 @p1 $0x1;
	p0 =	seq.s32 s7, s2  }
0x1e: {  	s7 =	smul.u32 @!p0 $0xF7A, s2;
	p2 =	seq.s32 @!p0 s5, $0x0  }
0x1f: {  	s9 =	smul.u32 $0xF7A, s1;
	s8 =	simm.s32 @!p0 $0x1BF5;
	p2 =	por !p2, p0  }
0x20: {  	[sflag:s8] =	ssyncset.s32 @!p0 $0xFFFFF086;
	s6 =	sadd.s32 @!p0 s3, s7;
	s7 =	simm.s32 @!p0 $0x108  }
0x21: {  	s3 =	sadd.s32 s3, s9;
	s6 =	sadd.s32 @!p0 $0x88, s6;
	s7 =	simm.s32 @p2 $0x1082  }
0x22: {  	[simem:s7], [sflag:s8] =	dma.local @!p0 [hbm:s6], $0xF7A  }
0x23: {  	s9 =	sor.u32 $0xD0000000, s2;
	s6 =	simm.s32 $0x108;
	_ =	swait.ge @!p0 [sflag:s8], $0x0  }
0x24: {  	s3 =	sadd.s32 $0x88, s3;
	s6 =	simm.s32 @!p1 $0x1082;
	[sflag:s4] =	ssyncset.s32 $0xFFFFF086  }
0x25: {  	[simem:s6], [sflag:s4] =	dma.local [hbm:s3], $0xF7A  }
0x26: {  	[smem:$0x3FA0] =	sst s1;
	(tag) =	ssettag s2;
	_ =	strace s9  }
0x27: {  	s1 =	sld [smem:$0x3FB0]  }
0x28: {  	s2 =	sld [smem:$0x3FB1]  }
0x29: {  	s4 =	sld [smem:$0x3FB3]  }
0x2a: {  	p0 =	seq.s32 s5, $0x0;
	s5 =	sld [smem:$0x3FB4]  }
0x2b: {  	s6 =	sld [smem:$0x3FB5]  }
0x2c: {  	s7 =	sld [smem:$0x3FB6]  }
0x2d: {  	s3 =	simm.s32 $0x108;
	s8 =	sld [smem:$0x3FB7]  }
0x2e: {  	s3 =	simm.s32 @!p0 $0x1082;
	s9 =	sld [smem:$0x3FB8]  }
0x2f: {  	lr =	sadd.s32 s0, s3;
	s0 =	sld [smem:$0x3FAF]  }
0x30: {  	s3 =	sld [smem:$0x3FB2]  }
0x31: {  	[smem:$0x3FBB] =	sst s10  }
0x32: {  	s10 =	sld [smem:$0x3FB9];
	_ =	sdelay $0x3  }
0x33: {  	p0 =	seq.s32 s10, $0x1;
	s10 =	sld [smem:$0x3FBB];
	_ =	sdelay $0x3  }
0x34: {  	[smem:$0x3FBB] =	sst s10  }
0x35: {  	s10 =	sld [smem:$0x3FBA];
	_ =	sdelay $0x3  }
0x36: {  	p1 =	seq.s32 s10, $0x1;
	s10 =	sld [smem:$0x3FBB];
	_ =	sdelay $0x3  }
0x37: {  	[smem:$0x3FBB] =	sst s10  }
0x38: {  	s10 =	sld [smem:$0x3FBC]  }
0x39: {  	_ = 	snop;
	(pc) =	sbr.ind lr, $3  }
0x3a: {  	_ = 	snop  }
0x3b: {  	_ = 	snop  }
0x3c: {  	p2 =	seq.s32 s10, $0x1;
	s10 =	sld [smem:$0x3FBB]  }
0x3d: {  	_ =	shalt  }
0x3e: {  	_ =	shalt  }
0x3f: {  	_ =	shalt  }
0x40: {  	_ =	shalt  }
0x41: {  	_ =	shalt  }
0x42: {  	_ =	shalt  }
0x43: {  	_ =	shalt  }
0x44: {  	_ =	shalt  }
0x45: {  	_ =	shalt  }
0x46: {  	_ =	shalt  }
0x47: {  	_ =	shalt  }
0x48: {  	_ =	shalt  }
0x49: {  	_ =	shalt  }
0x4a: {  	_ =	shalt  }
0x4b: {  	_ =	shalt  }
0x4c: {  	_ =	shalt  }
0x4d: {  	_ =	shalt  }
0x4e: {  	_ =	shalt  }
0x4f: {  	_ =	shalt  }
0x50: {  	_ =	shalt  }
0x51: {  	_ =	shalt  }
0x52: {  	_ =	shalt  }
0x53: {  	_ =	shalt  }
0x54: {  	_ =	shalt  }
0x55: {  	_ =	shalt  }
0x56: {  	_ =	shalt  }
0x57: {  	_ =	shalt  }
0x58: {  	_ =	shalt  }
0x59: {  	_ =	shalt  }
0x5a: {  	_ =	shalt  }
0x5b: {  	_ =	shalt  }
0x5c: {  	_ =	shalt  }
0x5d: {  	_ =	shalt  }
0x5e: {  	_ =	shalt  }
0x5f: {  	_ =	shalt  }
0x60: {  	_ =	shalt  }
0x61: {  	_ =	shalt  }
0x62: {  	_ =	shalt  }
0x63: {  	_ =	shalt  }
0x64: {  	_ =	shalt  }
0x65: {  	_ =	shalt  }
0x66: {  	_ =	shalt  }
0x67: {  	_ =	shalt  }
0x68: {  	_ =	shalt  }
0x69: {  	_ =	shalt  }
0x6a: {  	_ =	shalt  }
0x6b: {  	_ =	shalt  }
0x6c: {  	_ =	shalt  }
0x6d: {  	_ =	shalt  }
0x6e: {  	_ =	shalt  }
0x6f: {  	_ =	shalt  }
0x70: {  	_ =	shalt  }
0x71: {  	_ =	shalt  }
0x72: {  	_ =	shalt  }
0x73: {  	_ =	shalt  }
0x74: {  	_ =	shalt  }
0x75: {  	_ =	shalt  }
0x76: {  	_ =	shalt  }
0x77: {  	_ =	shalt  }
0x78: {  	_ =	shalt  }
0x79: {  	_ =	shalt  }
0x7a: {  	_ =	shalt  }
0x7b: {  	_ =	shalt  }
0x7c: {  	_ =	shalt  }
0x7d: {  	_ =	shalt  }
0x7e: {  	_ =	shalt  }
0x7f: {  	_ =	shalt  }
0x80: {  	_ =	shalt  }
0x81: {  	_ =	shalt  }
0x82: {  	_ =	shalt  }
0x83: {  	_ =	shalt  }
0x84: {  	_ =	shalt  }
0x85: {  	_ =	shalt  }
0x86: {  	_ =	shalt  }
0x87: {  	_ =	shalt  }
.Lfunc_end0:
.L_simem_size_0:
called_computation_lowered:
.L_overlay_start_0:
0x88: {  	s2 =	sld [smem:$0x3FD9]  }
0x89: {  	s3 =	sld [smem:$0x3FFE];
	_ =	sdelay $0x1  }
0x8a: {  	s1 =	srdreg.scid  }
0x8b: {  	s0 =	sand.u32 $0x1, s1  }
0x8c: {  	s18 =	sshll.u32 s0, $0xA;
	s2 =	sadd.s32 s3, s2  }
0x8d: {  	s2 =	sadd.s32 s2, s18  }
0x8e: {  	[smem:$0x3FC7] =	sst s2  }
0x8f: {  	_ = 	snop  }
0x90: {  	s2 =	sld [smem:$0x3FC9]  }
0x91: {  	s19 =	sld [smem:$0x3FD0];
	(tm) =	ssettm $0x1  }
0x92: {  	s4 =	sld [smem:$0x3FFB];
	_ =	sdelay $0x3  }
0x93: {  	_ =	strace s4  }
0x94: {  	s4 =	sld [smem:$0x3FFC];
	_ =	sdelay $0x3  }
0x95: {  	_ =	strace s4  }
0x96: {  	s4 =	sld [smem:$0x3FFD];
	_ =	sdelay $0x3  }
0x97: {  	_ =	strace s4  }
0x98: {  	_ =	strace $0x8FFFFFFF  }
0x99: {  	s20 =	sld [smem:$0x3FDB];
	_ =	sdelay $0x1  }
0x9a: {  	s5 =	simm.s32 $_scs_section_size  }
0x9b: {  	s6 =	simm.s32 $_size__tile_overlayer_lowered;
	s7 =	simm.s32 $_tile_overlayer_lowered  }
0x9c: {  	s23 =	simm.s32 $0x1BFF;
	s22 =	sshll.u32 s7, $0x1;
	s4 =	sadd.s32 s5, s20  }
0x9d: {  	s8 =	simm.s32 $0x0;
	s21 =	sshll.u32 s6, $0x1;
	s6 =	sadd.s32 s22, s4  }
0x9e: {  	[timem:s8], [sflag:s23] =	dma.local [hbm:s6], s21  }
0x9f: {  	_ =	swait.ge [sflag:s23], s21  }
0xa0: {  	s5 =	ssub.s32 $0x0, s21;
	[sflag:s23] =	ssyncset.done $0x0  }
0xa1: {  	[sflag:s23] =	ssyncadd.s32 s5;
	_ =	sdelay $0x1  }
0xa2: {  	s24 =	simm.s32 $0x1B8B  }
0xa3: {  	_ =	swait.ge [sflag:s24], $0x1  }
0xa4: {  	[sflag:s24] =	ssyncset.done $0x0  }
0xa5: {  	s25 =	simm.s32 $0x1B8E;
	[sflag:s24] =	ssyncadd.s32 $0xFFFFFFFF  }
0xa6: {  	s26 =	simm.s32 $execute0_lowered;
	[smem:$0x3FD2] =	sst s25  }
0xa7: {  	s5 =	sshll.u32 s26, $0x1;
	_ =	strace $0x80000046;
	[dreg:$0x1] =	wrdreg $0xFFFFFFFF  }
0xa8: {  	s28 =	simm.s32 $_size_execute0_lowered;
	s4 =	sadd.s32 s4, s5;
	[dreg:$0x0] =	wrdreg $0x0  }
0xa9: {  	s5 =	sshll.u32 s28, $0x1;
	[dreg:$0x2] =	wrdreg s4  }
0xaa: {  	[dreg:$0x3] =	wrdreg s5  }
0xab: {  	[dreg:$0x4] =	wrdreg $0xC0  }
0xac: {  	_ =	task [dreg:s8], $0x5FFFF  }
0xad: {  	[dreg:$0x1] =	wrdreg $0xFFFFFFFF  }
0xae: {  	[dreg:$0x0] =	wrdreg $0x60  }
0xaf: {  	[dreg:$0x2] =	wrdreg s2  }
0xb0: {  	[dreg:$0x3] =	wrdreg s19  }
0xb1: {  	[dreg:$0x4] =	wrdreg $0x9  }
0xb2: {  	_ =	task.clear_ibuf [dreg:s8], $0x5FFFF;
	_ =	strace $0x90000046  }
0xb3: {  	s29 =	simm.s32 $0x9;
	_ =	strace $0x80000048  }
0xb4: {  	_ =	swait.ge [sflag:s29], $0x1  }
0xb5: {  	[sflag:s29] =	ssyncadd.s32 $0xFFFFFFFF  }
0xb6: {  	_ =	strace $0x90000048  }
0xb7: {  	_ =	sfence  }
0xb8: {  	s30 =	sld [smem:$0x0];
	_ =	sdelay $0x2  }
0xb9: {  	s31 =	sshll.u32 s1, $0xD;
	s1 =	sshrl.u32 s1, $0x2  }
0xba: {  	s3 =	sand.u32 $0x4000, s31;
	s1 =	sadd.s32 s1, s30  }
0xbb: {  	s0 =	sor.u32 s3, s0;
	s1 =	sshll.u32 s1, $0x11  }
0xbc: {  	s0 =	sor.u32 s1, s0  }
0xbd: {  	s0 =	sadd.s32 $0x8F2B, s0  }
0xbe: {  	[sflag:s0] =	ssyncadd.remote.s32 $0x1  }
0xbf: {  	_ =	sfence.sel $0xFFFF  }
0xc0: {  	[dreg:$0x0] =	wrdreg $0xFFFFFFFF;
	(pc) =	sbr.abs _section_cstart, $3  }
0xc1: {  	[dreg:$0x1] =	wrdreg $0xFFFFFFFF  }
0xc2: {  	_ =	task.clear_ibuf [dreg:s8], $0x2FFFF;
	_ =	strace $0x9FFFFFFF  }
0xc3: {  	(tm) =	ssettm $0x7FFFFFFF  }
tec
execute0_lowered:
.L_overlay_start_1:
0x0: {  	(tag) =	ssettag $0x1  }
0x1: {  	s1 =	srdreg.scid;
	s0 =	stileid.u32  }
0x2: {  	s1 =	sand.u32 $0x1, s1;
	s2 =	sshll.u32 s0, $0x1  }
0x3: {  	s3 =	sor.u32 s1, s2  }
0x4: {  	s20 =	rddreg [dreg:$0x0];
	s21 =	smul.u32 $0x1900, s3  }
0x5: {  	s26 =	rddreg [dreg:$0x1];
	s2 =	simm.s32 $0x0  }
0x6: {  	[smem:$0x7FF] =	sst s2;
	s3 =	sadd.s32 s20, s21  }
0x7: {  	_ =	strace $0x80000047;
	s9 =	sadd.s32 $0x32000, s21;
	[dreg:$0x3] =	wrdreg s3  }
0x8: {  	s29 =	sadd.s32 s20, s9;
	s4 =	rddreg [dreg:$0x3]  }
0x9: {  	[dreg:$0x4] =	wrdreg s29  }
0xa: {  	[tilespmem:s2], [sflag:$0x1] =	stream.linear.gather [hbm4b:s4+s2], $0xC800, $0x38;
	[tilespmem:$0x19000] =	vst v63  }
0xb: {  	s3 =	simm.s32 $0xC800;
	s5 =	rddreg [dreg:$0x4];
	s4 =	simm.s32 $0x1  }
0xc: {  	[tilespmem:s3], [sflag:$0x2] =	stream.linear.gather [hbm4b:s5+s2], $0xC800, $0x38;
	[tilespmem:$0x19000] =	vst v63  }
0xd: {  	_ =	swait.ge [sflag:s4], $0xC800  }
0xe: {  	[sflag:s4] =	ssyncset.done $0x0  }
0xf: {  	s6 =	simm.s32 $0x3;
	s5 =	sadd.s32 s26, s21;
	[sflag:s4] =	ssyncadd.s32 $0xFFFF3800  }
0x10: {  	[hbm4b:s5+s2] =	stream.linear.scatter [tilespmem:s2], [sflag:$0x3], $0xC800, $0x38;
	[tilespmem:$0x19000] =	vst v63  }
0x11: {  	_ =	swait.ge [sflag:s6], $0xC800  }
0x12: {  	s12 =	sadd.s32 $0x64000, s21;
	[sflag:s6] =	ssyncset.done $0x0  }
0x13: {  	s8 =	simm.s32 $0x2;
	s7 =	sadd.s32 s20, s12;
	[sflag:s6] =	ssyncadd.s32 $0xFFFF3800  }
0x14: {  	[tilespmem:s2], [sflag:$0x1] =	stream.linear.gather [hbm4b:s7+s2], $0xC800, $0x38;
	[tilespmem:$0x19000] =	vst v63  }
0x15: {  	_ =	swait.ge [sflag:s8], $0xC800  }
0x16: {  	[sflag:s8] =	ssyncset.done $0x0  }
0x17: {  	s10 =	simm.s32 $0x4;
	s9 =	sadd.s32 s26, s9;
	[sflag:s8] =	ssyncadd.s32 $0xFFFF3800  }
0x18: {  	[hbm4b:s9+s2] =	stream.linear.scatter [tilespmem:s3], [sflag:$0x4], $0xC800, $0x38;
	[tilespmem:$0x19000] =	vst v63  }
0x19: {  	_ =	swait.ge [sflag:s10], $0xC800  }
0x1a: {  	s14 =	sadd.s32 $0x96000, s21;
	[sflag:s10] =	ssyncset.done $0x0  }
0x1b: {  	s11 =	sadd.s32 s20, s14;
	[sflag:s10] =	ssyncadd.s32 $0xFFFF3800  }
0x1c: {  	[tilespmem:s3], [sflag:$0x2] =	stream.linear.gather [hbm4b:s11+s2], $0xC800, $0x38;
	[tilespmem:$0x19000] =	vst v63  }
0x1d: {  	_ =	swait.ge [sflag:s4], $0xC800  }
0x1e: {  	[sflag:s4] =	ssyncset.done $0x0  }
0x1f: {  	s12 =	sadd.s32 s26, s12;
	[sflag:s4] =	ssyncadd.s32 $0xFFFF3800  }
0x20: {  	[hbm4b:s12+s2] =	stream.linear.scatter [tilespmem:s2], [sflag:$0x3], $0xC800, $0x38;
	[tilespmem:$0x19000] =	vst v63  }
0x21: {  	_ =	swait.ge [sflag:s6], $0xC800  }
0x22: {  	s16 =	sadd.s32 $0xC8000, s21;
	[sflag:s6] =	ssyncset.done $0x0  }
0x23: {  	s13 =	sadd.s32 s20, s16;
	[sflag:s6] =	ssyncadd.s32 $0xFFFF3800  }
0x24: {  	[tilespmem:s2], [sflag:$0x1] =	stream.linear.gather [hbm4b:s13+s2], $0xC800, $0x38;
	[tilespmem:$0x19000] =	vst v63  }
0x25: {  	_ =	swait.ge [sflag:s8], $0xC800  }
0x26: {  	[sflag:s8] =	ssyncset.done $0x0  }
0x27: {  	s14 =	sadd.s32 s26, s14;
	[sflag:s8] =	ssyncadd.s32 $0xFFFF3800  }
0x28: {  	[hbm4b:s14+s2] =	stream.linear.scatter [tilespmem:s3], [sflag:$0x4], $0xC800, $0x38;
	[tilespmem:$0x19000] =	vst v63  }
0x29: {  	_ =	swait.ge [sflag:s10], $0xC800  }
0x2a: {  	s18 =	sadd.s32 $0xFA000, s21;
	[sflag:s10] =	ssyncset.done $0x0  }
0x2b: {  	s15 =	sadd.s32 s20, s18;
	[sflag:s10] =	ssyncadd.s32 $0xFFFF3800  }
0x2c: {  	[tilespmem:s3], [sflag:$0x2] =	stream.linear.gather [hbm4b:s15+s2], $0xC800, $0x38;
	[tilespmem:$0x19000] =	vst v63  }
0x2d: {  	_ =	swait.ge [sflag:s4], $0xC800  }
0x2e: {  	[sflag:s4] =	ssyncset.done $0x0  }
0x2f: {  	s16 =	sadd.s32 s26, s16;
	[sflag:s4] =	ssyncadd.s32 $0xFFFF3800  }
0x30: {  	[hbm4b:s16+s2] =	stream.linear.scatter [tilespmem:s2], [sflag:$0x3], $0xC800, $0x38;
	[tilespmem:$0x19000] =	vst v63  }
0x31: {  	_ =	swait.ge [sflag:s6], $0xC800  }
0x32: {  	s24 =	sadd.s32 $0x12C000, s21;
	[sflag:s6] =	ssyncset.done $0x0  }
0x33: {  	s17 =	sadd.s32 s20, s24;
	[sflag:s6] =	ssyncadd.s32 $0xFFFF3800  }
0x34: {  	[tilespmem:s2], [sflag:$0x1] =	stream.linear.gather [hbm4b:s17+s2], $0xC800, $0x38;
	[tilespmem:$0x19000] =	vst v63  }
0x35: {  	_ =	swait.ge [sflag:s8], $0xC800  }
0x36: {  	p0 =	slt.u32 s0, $0xD;
	[sflag:s8] =	ssyncset.done $0x0  }
0x37: {  	s19 =	simm.s32 @p0 $0x4;
	s18 =	sadd.s32 s26, s18;
	[sflag:s8] =	ssyncadd.s32 $0xFFFF3800  }
0x38: {  	[hbm4b:s18+s2] =	stream.linear.scatter [tilespmem:s3], [sflag:$0x4], $0xC800, $0x38;
	[tilespmem:$0x19000] =	vst v63  }
0x39: {  	s22 =	simm.s32 @p0 $0xC800;
	_ =	swait.ge @p0 [sflag:s19], $0xC800  }
0x3a: {  	s23 =	simm.s32 @p0 $0x1;
	s28 =	sadd.s32 $0x15E000, s21;
	[sflag:s19] =	ssyncset.done @p0 $0x0  }
0x3b: {  	s20 =	sadd.s32 s20, s28;
	s21 =	simm.s32 @p0 $0x0;
	[sflag:s19] =	ssyncadd.s32 @p0 $0xFFFF3800  }
0x3c: {  	[tilespmem:s22], [sflag:$0x2] =	stream.linear.gather @p0 [hbm4b:s20+s21], $0xC800, $0x38;
	[tilespmem:$0x19000] =	vst v63  }
0x3d: {  	_ =	swait.ge @p0 [sflag:s23], $0xC800  }
0x3e: {  	s25 =	simm.s32 @p0 $0x2;
	[sflag:s23] =	ssyncset.done @p0 $0x0  }
0x3f: {  	s1 =	ssub.s32 $0x2, s1;
	s24 =	sadd.s32 s26, s24;
	[sflag:s23] =	ssyncadd.s32 @p0 $0xFFFF3800  }
0x40: {  	[hbm4b:s24+s21] =	stream.linear.scatter @p0 [tilespmem:s21], [sflag:$0x3], $0xC800, $0x38;
	[tilespmem:$0x19000] =	vst v63  }
0x41: {  	s31 =	sshrl.u32 s1, $0x1;
	_ =	swait.ge @p0 [sflag:s25], $0xC800  }
0x42: {  	s1 =	ssub.s32 s1, s31;
	[sflag:s25] =	ssyncset.done @p0 $0x0  }
0x43: {  	s26 =	sadd.s32 s26, s28;
	s28 =	simm.s32 @!p0 $0x1;
	[sflag:s25] =	ssyncadd.s32 @p0 $0xFFFF3800  }
0x44: {  	[hbm4b:s26+s21] =	stream.linear.scatter @p0 [tilespmem:s22], [sflag:$0x4], $0xC800, $0x38;
	[tilespmem:$0x19000] =	vst v63  }
0x45: {  	s1 =	smax.u32 s1, $0x1;
	_ =	swait.ge @!p0 [sflag:s28], $0xC800  }
0x46: {  	s0 =	simm.s32 @!p0 $0x0;
	s1 =	sadd.s32 $0xFFFFFFFF, s1;
	[sflag:s28] =	ssyncset.done @!p0 $0x0  }
0x47: {  	s30 =	simm.s32 @!p0 $0x4;
	p1 =	sne.s32 s1, $0x0;
	[sflag:s28] =	ssyncadd.s32 @!p0 $0xFFFF3800  }
0x48: {  	[hbm4b:s24+s0] =	stream.linear.scatter @!p0 [tilespmem:s0], [sflag:$0x3], $0xC800, $0x38;
	[tilespmem:$0x19000] =	vst v63  }
.Ltmp0:
0x49: {  	s30 =	simm.s32 @p0 $0x3;
	(pc) =	sbr.rel @!p1 .LBB2_2-.Ltmp0, $4  }
0x4a: {  	_ =	swait.ge [sflag:s30], $0xC800  }
0x4b: {  	s31 =	simm.s32 @!p0 $0x3;
	[sflag:s30] =	ssyncset.done $0x0  }
0x4c: {  	s31 =	simm.s32 @p0 $0x4;
	[sflag:s30] =	ssyncadd.s32 $0xFFFF3800  }
0x4d: {  	_ =	swait.ge [sflag:s31], $0xC800  }
.LBB2_1:
0x4e: {  	[sflag:s31] =	ssyncset.done $0x0  }
0x4f: {  	s0 =	rddreg [dreg:$0x3];
	[sflag:s31] =	ssyncadd.s32 $0xFFFF3800  }
0x50: {  	[tilespmem:s2], [sflag:$0x1] =	stream.linear.gather [hbm4b:s0+s2], $0xC800, $0x38;
	[tilespmem:$0x19000] =	vst v63  }
0x51: {  	s29 =	rddreg [dreg:$0x4]  }
0x52: {  	[tilespmem:s3], [sflag:$0x2] =	stream.linear.gather [hbm4b:s29+s2], $0xC800, $0x38;
	[tilespmem:$0x19000] =	vst v63  }
0x53: {  	_ =	swait.ge [sflag:s4], $0xC800  }
0x54: {  	[sflag:s4] =	ssyncset.done $0x0  }
0x55: {  	[sflag:s4] =	ssyncadd.s32 $0xFFFF3800  }
0x56: {  	[hbm4b:s5+s2] =	stream.linear.scatter [tilespmem:s2], [sflag:$0x3], $0xC800, $0x38;
	[tilespmem:$0x19000] =	vst v63  }
0x57: {  	_ =	swait.ge [sflag:s6], $0xC800  }
0x58: {  	[sflag:s6] =	ssyncset.done $0x0  }
0x59: {  	[sflag:s6] =	ssyncadd.s32 $0xFFFF3800  }
0x5a: {  	[tilespmem:s2], [sflag:$0x1] =	stream.linear.gather [hbm4b:s7+s2], $0xC800, $0x38;
	[tilespmem:$0x19000] =	vst v63  }
0x5b: {  	_ =	swait.ge [sflag:s8], $0xC800  }
0x5c: {  	[sflag:s8] =	ssyncset.done $0x0  }
0x5d: {  	[sflag:s8] =	ssyncadd.s32 $0xFFFF3800  }
0x5e: {  	[hbm4b:s9+s2] =	stream.linear.scatter [tilespmem:s3], [sflag:$0x4], $0xC800, $0x38;
	[tilespmem:$0x19000] =	vst v63  }
0x5f: {  	_ =	swait.ge [sflag:s10], $0xC800  }
0x60: {  	[sflag:s10] =	ssyncset.done $0x0  }
0x61: {  	[sflag:s10] =	ssyncadd.s32 $0xFFFF3800  }
0x62: {  	[tilespmem:s3], [sflag:$0x2] =	stream.linear.gather [hbm4b:s11+s2], $0xC800, $0x38;
	[tilespmem:$0x19000] =	vst v63  }
0x63: {  	_ =	swait.ge [sflag:s4], $0xC800  }
0x64: {  	[sflag:s4] =	ssyncset.done $0x0  }
0x65: {  	[sflag:s4] =	ssyncadd.s32 $0xFFFF3800  }
0x66: {  	[hbm4b:s12+s2] =	stream.linear.scatter [tilespmem:s2], [sflag:$0x3], $0xC800, $0x38;
	[tilespmem:$0x19000] =	vst v63  }
0x67: {  	_ =	swait.ge [sflag:s6], $0xC800  }
0x68: {  	[sflag:s6] =	ssyncset.done $0x0  }
0x69: {  	[sflag:s6] =	ssyncadd.s32 $0xFFFF3800  }
0x6a: {  	[tilespmem:s2], [sflag:$0x1] =	stream.linear.gather [hbm4b:s13+s2], $0xC800, $0x38;
	[tilespmem:$0x19000] =	vst v63  }
0x6b: {  	_ =	swait.ge [sflag:s8], $0xC800  }
0x6c: {  	[sflag:s8] =	ssyncset.done $0x0  }
0x6d: {  	[sflag:s8] =	ssyncadd.s32 $0xFFFF3800  }
0x6e: {  	[hbm4b:s14+s2] =	stream.linear.scatter [tilespmem:s3], [sflag:$0x4], $0xC800, $0x38;
	[tilespmem:$0x19000] =	vst v63  }
0x6f: {  	_ =	swait.ge [sflag:s10], $0xC800  }
0x70: {  	[sflag:s10] =	ssyncset.done $0x0  }
0x71: {  	[sflag:s10] =	ssyncadd.s32 $0xFFFF3800  }
0x72: {  	[tilespmem:s3], [sflag:$0x2] =	stream.linear.gather [hbm4b:s15+s2], $0xC800, $0x38;
	[tilespmem:$0x19000] =	vst v63  }
0x73: {  	_ =	swait.ge [sflag:s4], $0xC800  }
0x74: {  	[sflag:s4] =	ssyncset.done $0x0  }
0x75: {  	[sflag:s4] =	ssyncadd.s32 $0xFFFF3800  }
0x76: {  	[hbm4b:s16+s2] =	stream.linear.scatter [tilespmem:s2], [sflag:$0x3], $0xC800, $0x38;
	[tilespmem:$0x19000] =	vst v63  }
0x77: {  	_ =	swait.ge [sflag:s6], $0xC800  }
0x78: {  	[sflag:s6] =	ssyncset.done $0x0  }
0x79: {  	[sflag:s6] =	ssyncadd.s32 $0xFFFF3800  }
0x7a: {  	[tilespmem:s2], [sflag:$0x1] =	stream.linear.gather [hbm4b:s17+s2], $0xC800, $0x38;
	[tilespmem:$0x19000] =	vst v63  }
0x7b: {  	_ =	swait.ge [sflag:s8], $0xC800  }
0x7c: {  	[sflag:s8] =	ssyncset.done $0x0  }
0x7d: {  	[sflag:s8] =	ssyncadd.s32 $0xFFFF3800  }
0x7e: {  	[hbm4b:s18+s2] =	stream.linear.scatter [tilespmem:s3], [sflag:$0x4], $0xC800, $0x38;
	[tilespmem:$0x19000] =	vst v63  }
0x7f: {  	_ =	swait.ge @p0 [sflag:s19], $0xC800  }
0x80: {  	[sflag:s19] =	ssyncset.done @p0 $0x0  }
0x81: {  	[sflag:s19] =	ssyncadd.s32 @p0 $0xFFFF3800  }
0x82: {  	[tilespmem:s22], [sflag:$0x2] =	stream.linear.gather @p0 [hbm4b:s20+s21], $0xC800, $0x38;
	[tilespmem:$0x19000] =	vst v63  }
0x83: {  	_ =	swait.ge @p0 [sflag:s23], $0xC800  }
0x84: {  	[sflag:s23] =	ssyncset.done @p0 $0x0  }
0x85: {  	[sflag:s23] =	ssyncadd.s32 @p0 $0xFFFF3800  }
0x86: {  	[hbm4b:s24+s21] =	stream.linear.scatter @p0 [tilespmem:s21], [sflag:$0x3], $0xC800, $0x38;
	[tilespmem:$0x19000] =	vst v63  }
0x87: {  	_ =	swait.ge @p0 [sflag:s25], $0xC800  }
0x88: {  	[sflag:s25] =	ssyncset.done @p0 $0x0  }
0x89: {  	[sflag:s25] =	ssyncadd.s32 @p0 $0xFFFF3800  }
0x8a: {  	[hbm4b:s26+s21] =	stream.linear.scatter @p0 [tilespmem:s22], [sflag:$0x4], $0xC800, $0x38;
	[tilespmem:$0x19000] =	vst v63  }
0x8b: {  	_ =	swait.ge @!p0 [sflag:s28], $0xC800  }
0x8c: {  	s1 =	sadd.s32 $0xFFFFFFFF, s1;
	[sflag:s28] =	ssyncset.done @!p0 $0x0  }
0x8d: {  	p1 =	sne.s32 s1, $0x0;
	s0 =	simm.s32 @!p0 $0x0;
	[sflag:s28] =	ssyncadd.s32 @!p0 $0xFFFF3800  }
0x8e: {  	[hbm4b:s24+s0] =	stream.linear.scatter @!p0 [tilespmem:s0], [sflag:$0x3], $0xC800, $0x38;
	[tilespmem:$0x19000] =	vst v63  }
.Ltmp1:
0x8f: {  	_ = 	snop;
	(pc) =	sbr.rel @p1 .LBB2_1-.Ltmp1, $4  }
0x90: {  	_ =	swait.ge [sflag:s30], $0xC800  }
0x91: {  	[sflag:s30] =	ssyncset.done $0x0  }
0x92: {  	[sflag:s30] =	ssyncadd.s32 $0xFFFF3800  }
0x93: {  	_ =	swait.ge [sflag:s31], $0xC800  }
.LBB2_2:
0x94: {  	[sflag:s31] =	ssyncset.done $0x0  }
0x95: {  	[sflag:s31] =	ssyncadd.s32 $0xFFFF3800  }
0x96: {  	_ =	sfence.sel $0x180000  }
0x97: {  	[bflag:$0x0] =	sbarrier.arrive $0xFFFF  }
0x98: {  	_ =	strace $0x90000047  }
0x99: {  	s0 =	stileid.u32;
	[bflag:$0x2] =	sbarrier.arrive $0xFFFF  }
0x9a: {  	p0 =	sne.s32 s0, $0x0;
	s0 =	rddreg [dreg:$0x2]  }
0x9b: {  	s0 =	sadd.s32 @!p0 $0x100000, s0  }
0x9c: {  	[sflag:s0] =	ssyncadd.tile.s32 @!p0 $0x1;
	_ =	shalt  }
.Lfunc_end2:
_tile_overlayer_lowered:
.L_overlay_start_2:
0x9d: {  	(tag) =	ssettag $0x2  }
0x9e: {  	s0 =	rddreg [dreg:$0x0];
	s2 =	stileid.u32  }
0x9f: {  	s1 =	rddreg [dreg:$0x1];
	p0 =	sne.s32 s2, $0x0  }
0xa0: {  	s3 =	rddreg [dreg:$0x2];
	[bflag:$0x3] =	sbarrier.arrive $0xFFFF;
	s2 =	simm.s32 @!p0 $0x1C05  }
0xa1: {  	[timem:s3], [sflag:s2] =	dma.local @!p0 [hbm:s0], s1  }
0xa2: {  	s0 =	simm.s32 @!p0 $0x5  }
0xa3: {  	_ =	swait.ge @!p0 [sflag:s0], s1  }
0xa4: {  	s1 =	ssub.s32 @!p0 $0x0, s1;
	[sflag:s0] =	ssyncset.done @!p0 $0x0  }
0xa5: {  	[sflag:s0] =	ssyncadd.s32 @!p0 s1  }
0xa6: {  	[bflag:$0x3] =	sbarrier.arrive $0xFFFF  }
0xa7: {  	_ =	shalt  }

</sc_bundles>
